<compile_context>
chip_gen: v7x
topology: tpu7x:2x2x1
jax: 0.10.2.dev20260603
libtpu: 0.0.44.dev20260713+nightly
codegen_flags: <defaults>
</compile_context>

<pallas_src>
import functools

import jax
import jax.numpy as jnp
from jax import lax
from jax.experimental import pallas as pl
from jax.experimental.pallas import tpu as pltpu
from jax.experimental.pallas import tpu_sc as plsc

_NC, _NS = 2, 16
_NW = _NC * _NS


def _gather_rows(table, idx, chunk):
    V, D = table.shape
    B = idx.shape[0]
    assert B % (_NW * chunk) == 0
    b_per_w = B // _NW
    n_chunks = b_per_w // chunk
    mesh = plsc.VectorSubcoreMesh(core_axis_name="c", subcore_axis_name="s")

    assert n_chunks % 2 == 0 and n_chunks >= 4

    @functools.partial(
        pl.kernel,
        mesh=mesh,
        out_type=jax.ShapeDtypeStruct((B, D), jnp.float32),
        scratch_types=[
            pltpu.VMEM((b_per_w,), jnp.int32),
            pltpu.VMEM((chunk, D), jnp.float32),
            pltpu.VMEM((chunk, D), jnp.float32),
            pltpu.SemaphoreType.DMA,
            pltpu.SemaphoreType.DMA,
            pltpu.SemaphoreType.DMA,
            pltpu.SemaphoreType.DMA,
        ],
    )
    def k(table_hbm, idx_hbm, out_hbm, idx_v, buf0, buf1, g0, g1, w0, w1):
        wid = lax.axis_index("s") * _NC + lax.axis_index("c")
        base = wid * b_per_w
        pltpu.sync_copy(idx_hbm.at[pl.ds(base, b_per_w)], idx_v)

        def start_g(ci, buf, sem):
            pltpu.async_copy(
                table_hbm.at[idx_v.at[pl.ds(ci * chunk, chunk)]], buf, sem
            )

        def wait_g(buf, sem):
            pltpu.make_async_copy(
                table_hbm.at[idx_v.at[pl.ds(0, chunk)]], buf, sem
            ).wait()

        def start_w(ci, buf, sem):
            pltpu.async_copy(buf, out_hbm.at[pl.ds(base + ci * chunk, chunk)], sem)

        def wait_w(buf, sem):
            pltpu.make_async_copy(buf, out_hbm.at[pl.ds(base, chunk)], sem).wait()

        start_g(0, buf0, g0)
        start_g(1, buf1, g1)

        @pl.loop(0, (n_chunks - 2) // 2)
        def _(k2):
            ci = 2 * k2
            wait_g(buf0, g0)
            start_w(ci, buf0, w0)
            wait_g(buf1, g1)
            start_w(ci + 1, buf1, w1)
            wait_w(buf0, w0)
            start_g(ci + 2, buf0, g0)
            wait_w(buf1, w1)
            start_g(ci + 3, buf1, g1)

        wait_g(buf0, g0)
        start_w(n_chunks - 2, buf0, w0)
        wait_g(buf1, g1)
        start_w(n_chunks - 1, buf1, w1)
        wait_w(buf0, w0)
        wait_w(buf1, w1)

    return k(table, idx)


def kernel(input_features, project_map):
    B, C, H, W = input_features.shape
    Ho, Wo, _ = project_map.shape
    rows = project_map[:, :, 0].astype(jnp.int32)
    cols = project_map[:, :, 1].astype(jnp.int32)
    idx = (rows * W + cols).reshape(-1)
    table = (
        input_features.reshape(B * C, H, W)
        .transpose(1, 2, 0)
        .reshape(H * W, B * C)
    )
    out_t = _gather_rows(table, idx, chunk=144)
    return out_t.reshape(Ho, Wo, B * C).transpose(2, 0, 1).reshape(B, C, Ho, Wo)

# --- scband reference (transcript-rebuilt; emitter-appended) ---
"""Pipeline reference for scband-project-layer-6468220748258 (READ-ONLY COPY).

The authoritative reference and input builder live on the scoring server;
editing this copy changes nothing except your own understanding.
"""

import jax, jax.numpy as jnp
import numpy as np


def setup_inputs(seed: int = 0) -> dict:
    key = jax.random.key(seed)
    k1, k2 = jax.random.split(key, 2)
    input_features = jax.random.normal(k1, (4, 96, 384, 384), dtype=jnp.float32)
    project_map = jax.random.randint(k2, (384, 384, 2), 0, 384, dtype=jnp.int64)
    return {"input_features": input_features, "project_map": project_map}


def reference(input_features, project_map):
    # Faithful translation of:
    #   input_features[:, :, project_map[:, :, 0].long(), project_map[:, :, 1].long()]
    # Advanced indexing with two [Ho, Wo] index arrays on the last two axes
    # produces output of shape [B, C, Ho, Wo].
    rows = project_map[:, :, 0].astype(jnp.int32)
    cols = project_map[:, :, 1].astype(jnp.int32)
    return input_features[:, :, rows, cols]

if __name__ == "__main__":
    import jax
    _d = setup_inputs()
    print(jax.jit(kernel)(*tuple(_d.values())))

</pallas_src>

<mosaic_0001>
#map = affine_map<(d0, d1) -> (0, 0)>
#map1 = affine_map<(d0, d1) -> (0)>
module attributes {stable_mosaic.version = 14 : i64} {
  func.func @k(%arg0: i32, %arg1: i32, %arg2: memref<147456x384xf32, #tpu.memory_space<hbm>>, %arg3: memref<147456xi32, #tpu.memory_space<hbm>>, %arg4: memref<147456x384xf32, #tpu.memory_space<hbm>>, %arg5: memref<4608xi32, #tpu.memory_space<vmem>>, %arg6: memref<144x384xf32, #tpu.memory_space<vmem>>, %arg7: memref<144x384xf32, #tpu.memory_space<vmem>>, %arg8: memref<!tpu.dma_semaphore, #tpu.memory_space<semaphore_mem>>, %arg9: memref<!tpu.dma_semaphore, #tpu.memory_space<semaphore_mem>>, %arg10: memref<!tpu.dma_semaphore, #tpu.memory_space<semaphore_mem>>, %arg11: memref<!tpu.dma_semaphore, #tpu.memory_space<semaphore_mem>>) attributes {dimension_semantics = [#tpu.dimension_semantics<core_parallel>, #tpu.dimension_semantics<subcore_parallel>], iteration_bounds = array<i64: 2, 16>, scalar_prefetch = 0 : i64, scratch_operands = 7 : i64, tpu.core_type = #tpu.core_type<sc_vector_subcore>, window_params = [{transform_indices = #map}, {transform_indices = #map1}, {transform_indices = #map}]} {
    %mul3A = arith.constant 2 : i32
    %mul3A_0 = arith.muli %arg1, %mul3A : i32
    %add3A = arith.addi %mul3A_0, %arg0 : i32
    %mul3A_1 = arith.constant 4608 : i32
    %mul3A_2 = arith.muli %add3A, %mul3A_1 : i32
    "tpu.region"() ({
      %run_scoped3A = tpu.sem_alloc : memref<!tpu.dma_semaphore, #tpu.memory_space<semaphore_mem>>
      %dma_start3A_45 = tpu.memref_slice %arg3[%mul3A_2] : memref<147456xi32, #tpu.memory_space<hbm>> -> memref<4608xi32, #tpu.memory_space<hbm>>
      %dma_start3A_46 = tpu.memref_slice %arg3[%mul3A_2] : memref<147456xi32, #tpu.memory_space<hbm>> -> memref<4608xi32, #tpu.memory_space<hbm>>
      tpu.enqueue_dma source(%dma_start3A_46 : memref<4608xi32, #tpu.memory_space<hbm>>) target(%arg5 : memref<4608xi32, #tpu.memory_space<vmem>>) target_semaphore(%run_scoped3A : memref<!tpu.dma_semaphore, #tpu.memory_space<semaphore_mem>>)
      %dma_wait3A_47 = tpu.memref_slice %arg3[%mul3A_2] : memref<147456xi32, #tpu.memory_space<hbm>> -> memref<4608xi32, #tpu.memory_space<hbm>>
      %dma_wait3A_48 = tpu.memref_slice %arg3[%mul3A_2] : memref<147456xi32, #tpu.memory_space<hbm>> -> memref<4608xi32, #tpu.memory_space<hbm>>
      tpu.wait_dma2 semaphore(%run_scoped3A : memref<!tpu.dma_semaphore, #tpu.memory_space<semaphore_mem>>) src(%dma_wait3A_48 : memref<4608xi32, #tpu.memory_space<hbm>>) dst(%arg5 : memref<4608xi32, #tpu.memory_space<vmem>>)
      tpu.yield
    }) : () -> ()
    %dma_start3A = arith.constant 0 : i32
    %dma_start3A_3 = tpu.memref_slice %arg5[%dma_start3A] : memref<4608xi32, #tpu.memory_space<vmem>> -> memref<144xi32, #tpu.memory_space<vmem>>
    %dma_start3A_4 = arith.constant 0 : i32
    %dma_start3A_5 = arith.constant 0 : i32
    %dma_start3A_6 = tpu.memref_slice %arg2[%dma_start3A_4, %dma_start3A_5] : memref<147456x384xf32, #tpu.memory_space<hbm>> -> memref<147456x384xf32, #tpu.memory_space<hbm>>
    tpu.enqueue_indirect_dma source(%dma_start3A_6 : memref<147456x384xf32, #tpu.memory_space<hbm>>) target(%arg6 : memref<144x384xf32, #tpu.memory_space<vmem>>) offsets(%dma_start3A_3 : memref<144xi32, #tpu.memory_space<vmem>>) semaphore(%arg8 : memref<!tpu.dma_semaphore, #tpu.memory_space<semaphore_mem>>)
    %dma_start3A_7 = arith.constant 144 : i32
    %dma_start3A_8 = tpu.memref_slice %arg5[%dma_start3A_7] : memref<4608xi32, #tpu.memory_space<vmem>> -> memref<144xi32, #tpu.memory_space<vmem>>
    %dma_start3A_9 = arith.constant 0 : i32
    %dma_start3A_10 = arith.constant 0 : i32
    %dma_start3A_11 = tpu.memref_slice %arg2[%dma_start3A_9, %dma_start3A_10] : memref<147456x384xf32, #tpu.memory_space<hbm>> -> memref<147456x384xf32, #tpu.memory_space<hbm>>
    tpu.enqueue_indirect_dma source(%dma_start3A_11 : memref<147456x384xf32, #tpu.memory_space<hbm>>) target(%arg7 : memref<144x384xf32, #tpu.memory_space<vmem>>) offsets(%dma_start3A_8 : memref<144xi32, #tpu.memory_space<vmem>>) semaphore(%arg9 : memref<!tpu.dma_semaphore, #tpu.memory_space<semaphore_mem>>)
    %scan3A = arith.constant 0 : i32
    %scan3A_12 = arith.constant 15 : i32
    %scan3A_13 = arith.addi %scan3A, %scan3A_12 : i32
    %scan3A_14 = arith.constant 1 : i32
    scf.for %scan3A_45 = %scan3A to %scan3A_13 step %scan3A_14  : i32 {
      %mul3A_46 = arith.constant 1 : i32
      %mul3A_47 = arith.muli %scan3A_45, %mul3A_46 : i32
      %add3A_48 = arith.constant 0 : i32
      %add3A_49 = arith.addi %add3A_48, %mul3A_47 : i32
      %mul3A_50 = arith.constant 2 : i32
      %mul3A_51 = arith.muli %mul3A_50, %add3A_49 : i32
      %dma_wait3A_52 = arith.constant 0 : i32
      %dma_wait3A_53 = tpu.memref_slice %arg5[%dma_wait3A_52] : memref<4608xi32, #tpu.memory_space<vmem>> -> memref<144xi32, #tpu.memory_space<vmem>>
      %dma_wait3A_54 = arith.constant 0 : i32
      %dma_wait3A_55 = arith.constant 0 : i32
      %dma_wait3A_56 = tpu.memref_slice %arg2[%dma_wait3A_54, %dma_wait3A_55] : memref<147456x384xf32, #tpu.memory_space<hbm>> -> memref<147456x384xf32, #tpu.memory_space<hbm>>
      tpu.wait_indirect_dma semaphore(%arg8 : memref<!tpu.dma_semaphore, #tpu.memory_space<semaphore_mem>>) src(%dma_wait3A_56 : memref<147456x384xf32, #tpu.memory_space<hbm>>) dst(%arg6 : memref<144x384xf32, #tpu.memory_space<vmem>>)
      %mul3A_57 = arith.constant 144 : i32
      %mul3A_58 = arith.muli %mul3A_51, %mul3A_57 : i32
      %add3A_59 = arith.addi %mul3A_2, %mul3A_58 : i32
      %dma_start3A_60 = arith.constant 0 : i32
      %dma_start3A_61 = tpu.memref_slice %arg4[%add3A_59, %dma_start3A_60] : memref<147456x384xf32, #tpu.memory_space<hbm>> -> memref<144x384xf32, #tpu.memory_space<hbm>>
      %dma_start3A_62 = arith.constant 0 : i32
      %dma_start3A_63 = tpu.memref_slice %arg4[%add3A_59, %dma_start3A_62] : memref<147456x384xf32, #tpu.memory_space<hbm>> -> memref<144x384xf32, #tpu.memory_space<hbm>>
      tpu.enqueue_dma source(%arg6 : memref<144x384xf32, #tpu.memory_space<vmem>>) target(%dma_start3A_63 : memref<144x384xf32, #tpu.memory_space<hbm>>) target_semaphore(%arg10 : memref<!tpu.dma_semaphore, #tpu.memory_space<semaphore_mem>>)
      %dma_wait3A_64 = arith.constant 0 : i32
      %dma_wait3A_65 = tpu.memref_slice %arg5[%dma_wait3A_64] : memref<4608xi32, #tpu.memory_space<vmem>> -> memref<144xi32, #tpu.memory_space<vmem>>
      %dma_wait3A_66 = arith.constant 0 : i32
      %dma_wait3A_67 = arith.constant 0 : i32
      %dma_wait3A_68 = tpu.memref_slice %arg2[%dma_wait3A_66, %dma_wait3A_67] : memref<147456x384xf32, #tpu.memory_space<hbm>> -> memref<147456x384xf32, #tpu.memory_space<hbm>>
      tpu.wait_indirect_dma semaphore(%arg9 : memref<!tpu.dma_semaphore, #tpu.memory_space<semaphore_mem>>) src(%dma_wait3A_68 : memref<147456x384xf32, #tpu.memory_space<hbm>>) dst(%arg7 : memref<144x384xf32, #tpu.memory_space<vmem>>)
      %add3A_69 = arith.constant 1 : i32
      %add3A_70 = arith.addi %mul3A_51, %add3A_69 : i32
      %mul3A_71 = arith.constant 144 : i32
      %mul3A_72 = arith.muli %add3A_70, %mul3A_71 : i32
      %add3A_73 = arith.addi %mul3A_2, %mul3A_72 : i32
      %dma_start3A_74 = arith.constant 0 : i32
      %dma_start3A_75 = tpu.memref_slice %arg4[%add3A_73, %dma_start3A_74] : memref<147456x384xf32, #tpu.memory_space<hbm>> -> memref<144x384xf32, #tpu.memory_space<hbm>>
      %dma_start3A_76 = arith.constant 0 : i32
      %dma_start3A_77 = tpu.memref_slice %arg4[%add3A_73, %dma_start3A_76] : memref<147456x384xf32, #tpu.memory_space<hbm>> -> memref<144x384xf32, #tpu.memory_space<hbm>>
      tpu.enqueue_dma source(%arg7 : memref<144x384xf32, #tpu.memory_space<vmem>>) target(%dma_start3A_77 : memref<144x384xf32, #tpu.memory_space<hbm>>) target_semaphore(%arg11 : memref<!tpu.dma_semaphore, #tpu.memory_space<semaphore_mem>>)
      %dma_wait3A_78 = arith.constant 0 : i32
      %dma_wait3A_79 = tpu.memref_slice %arg4[%mul3A_2, %dma_wait3A_78] : memref<147456x384xf32, #tpu.memory_space<hbm>> -> memref<144x384xf32, #tpu.memory_space<hbm>>
      %dma_wait3A_80 = arith.constant 0 : i32
      %dma_wait3A_81 = tpu.memref_slice %arg4[%mul3A_2, %dma_wait3A_80] : memref<147456x384xf32, #tpu.memory_space<hbm>> -> memref<144x384xf32, #tpu.memory_space<hbm>>
      tpu.wait_dma2 semaphore(%arg10 : memref<!tpu.dma_semaphore, #tpu.memory_space<semaphore_mem>>) src(%arg6 : memref<144x384xf32, #tpu.memory_space<vmem>>) dst(%dma_wait3A_81 : memref<144x384xf32, #tpu.memory_space<hbm>>)
      %add3A_82 = arith.constant 2 : i32
      %add3A_83 = arith.addi %mul3A_51, %add3A_82 : i32
      %mul3A_84 = arith.constant 144 : i32
      %mul3A_85 = arith.muli %add3A_83, %mul3A_84 : i32
      %dma_start3A_86 = tpu.memref_slice %arg5[%mul3A_85] : memref<4608xi32, #tpu.memory_space<vmem>> -> memref<144xi32, #tpu.memory_space<vmem>>
      %dma_start3A_87 = arith.constant 0 : i32
      %dma_start3A_88 = arith.constant 0 : i32
      %dma_start3A_89 = tpu.memref_slice %arg2[%dma_start3A_87, %dma_start3A_88] : memref<147456x384xf32, #tpu.memory_space<hbm>> -> memref<147456x384xf32, #tpu.memory_space<hbm>>
      tpu.enqueue_indirect_dma source(%dma_start3A_89 : memref<147456x384xf32, #tpu.memory_space<hbm>>) target(%arg6 : memref<144x384xf32, #tpu.memory_space<vmem>>) offsets(%dma_start3A_86 : memref<144xi32, #tpu.memory_space<vmem>>) semaphore(%arg8 : memref<!tpu.dma_semaphore, #tpu.memory_space<semaphore_mem>>)
      %dma_wait3A_90 = arith.constant 0 : i32
      %dma_wait3A_91 = tpu.memref_slice %arg4[%mul3A_2, %dma_wait3A_90] : memref<147456x384xf32, #tpu.memory_space<hbm>> -> memref<144x384xf32, #tpu.memory_space<hbm>>
      %dma_wait3A_92 = arith.constant 0 : i32
      %dma_wait3A_93 = tpu.memref_slice %arg4[%mul3A_2, %dma_wait3A_92] : memref<147456x384xf32, #tpu.memory_space<hbm>> -> memref<144x384xf32, #tpu.memory_space<hbm>>
      tpu.wait_dma2 semaphore(%arg11 : memref<!tpu.dma_semaphore, #tpu.memory_space<semaphore_mem>>) src(%arg7 : memref<144x384xf32, #tpu.memory_space<vmem>>) dst(%dma_wait3A_93 : memref<144x384xf32, #tpu.memory_space<hbm>>)
      %add3A_94 = arith.constant 3 : i32
      %add3A_95 = arith.addi %mul3A_51, %add3A_94 : i32
      %mul3A_96 = arith.constant 144 : i32
      %mul3A_97 = arith.muli %add3A_95, %mul3A_96 : i32
      %dma_start3A_98 = tpu.memref_slice %arg5[%mul3A_97] : memref<4608xi32, #tpu.memory_space<vmem>> -> memref<144xi32, #tpu.memory_space<vmem>>
      %dma_start3A_99 = arith.constant 0 : i32
      %dma_start3A_100 = arith.constant 0 : i32
      %dma_start3A_101 = tpu.memref_slice %arg2[%dma_start3A_99, %dma_start3A_100] : memref<147456x384xf32, #tpu.memory_space<hbm>> -> memref<147456x384xf32, #tpu.memory_space<hbm>>
      tpu.enqueue_indirect_dma source(%dma_start3A_101 : memref<147456x384xf32, #tpu.memory_space<hbm>>) target(%arg7 : memref<144x384xf32, #tpu.memory_space<vmem>>) offsets(%dma_start3A_98 : memref<144xi32, #tpu.memory_space<vmem>>) semaphore(%arg9 : memref<!tpu.dma_semaphore, #tpu.memory_space<semaphore_mem>>)
    }
    %scan3A_15 = arith.constant 15 : i32
    %dma_wait3A = arith.constant 0 : i32
    %dma_wait3A_16 = tpu.memref_slice %arg5[%dma_wait3A] : memref<4608xi32, #tpu.memory_space<vmem>> -> memref<144xi32, #tpu.memory_space<vmem>>
    %dma_wait3A_17 = arith.constant 0 : i32
    %dma_wait3A_18 = arith.constant 0 : i32
    %dma_wait3A_19 = tpu.memref_slice %arg2[%dma_wait3A_17, %dma_wait3A_18] : memref<147456x384xf32, #tpu.memory_space<hbm>> -> memref<147456x384xf32, #tpu.memory_space<hbm>>
    tpu.wait_indirect_dma semaphore(%arg8 : memref<!tpu.dma_semaphore, #tpu.memory_space<semaphore_mem>>) src(%dma_wait3A_19 : memref<147456x384xf32, #tpu.memory_space<hbm>>) dst(%arg6 : memref<144x384xf32, #tpu.memory_space<vmem>>)
    %add3A_20 = arith.constant 4320 : i32
    %add3A_21 = arith.addi %mul3A_2, %add3A_20 : i32
    %dma_start3A_22 = arith.constant 0 : i32
    %dma_start3A_23 = tpu.memref_slice %arg4[%add3A_21, %dma_start3A_22] : memref<147456x384xf32, #tpu.memory_space<hbm>> -> memref<144x384xf32, #tpu.memory_space<hbm>>
    %dma_start3A_24 = arith.constant 0 : i32
    %dma_start3A_25 = tpu.memref_slice %arg4[%add3A_21, %dma_start3A_24] : memref<147456x384xf32, #tpu.memory_space<hbm>> -> memref<144x384xf32, #tpu.memory_space<hbm>>
    tpu.enqueue_dma source(%arg6 : memref<144x384xf32, #tpu.memory_space<vmem>>) target(%dma_start3A_25 : memref<144x384xf32, #tpu.memory_space<hbm>>) target_semaphore(%arg10 : memref<!tpu.dma_semaphore, #tpu.memory_space<semaphore_mem>>)
    %dma_wait3A_26 = arith.constant 0 : i32
    %dma_wait3A_27 = tpu.memref_slice %arg5[%dma_wait3A_26] : memref<4608xi32, #tpu.memory_space<vmem>> -> memref<144xi32, #tpu.memory_space<vmem>>
    %dma_wait3A_28 = arith.constant 0 : i32
    %dma_wait3A_29 = arith.constant 0 : i32
    %dma_wait3A_30 = tpu.memref_slice %arg2[%dma_wait3A_28, %dma_wait3A_29] : memref<147456x384xf32, #tpu.memory_space<hbm>> -> memref<147456x384xf32, #tpu.memory_space<hbm>>
    tpu.wait_indirect_dma semaphore(%arg9 : memref<!tpu.dma_semaphore, #tpu.memory_space<semaphore_mem>>) src(%dma_wait3A_30 : memref<147456x384xf32, #tpu.memory_space<hbm>>) dst(%arg7 : memref<144x384xf32, #tpu.memory_space<vmem>>)
    %add3A_31 = arith.constant 4464 : i32
    %add3A_32 = arith.addi %mul3A_2, %add3A_31 : i32
    %dma_start3A_33 = arith.constant 0 : i32
    %dma_start3A_34 = tpu.memref_slice %arg4[%add3A_32, %dma_start3A_33] : memref<147456x384xf32, #tpu.memory_space<hbm>> -> memref<144x384xf32, #tpu.memory_space<hbm>>
    %dma_start3A_35 = arith.constant 0 : i32
    %dma_start3A_36 = tpu.memref_slice %arg4[%add3A_32, %dma_start3A_35] : memref<147456x384xf32, #tpu.memory_space<hbm>> -> memref<144x384xf32, #tpu.memory_space<hbm>>
    tpu.enqueue_dma source(%arg7 : memref<144x384xf32, #tpu.memory_space<vmem>>) target(%dma_start3A_36 : memref<144x384xf32, #tpu.memory_space<hbm>>) target_semaphore(%arg11 : memref<!tpu.dma_semaphore, #tpu.memory_space<semaphore_mem>>)
    %dma_wait3A_37 = arith.constant 0 : i32
    %dma_wait3A_38 = tpu.memref_slice %arg4[%mul3A_2, %dma_wait3A_37] : memref<147456x384xf32, #tpu.memory_space<hbm>> -> memref<144x384xf32, #tpu.memory_space<hbm>>
    %dma_wait3A_39 = arith.constant 0 : i32
    %dma_wait3A_40 = tpu.memref_slice %arg4[%mul3A_2, %dma_wait3A_39] : memref<147456x384xf32, #tpu.memory_space<hbm>> -> memref<144x384xf32, #tpu.memory_space<hbm>>
    tpu.wait_dma2 semaphore(%arg10 : memref<!tpu.dma_semaphore, #tpu.memory_space<semaphore_mem>>) src(%arg6 : memref<144x384xf32, #tpu.memory_space<vmem>>) dst(%dma_wait3A_40 : memref<144x384xf32, #tpu.memory_space<hbm>>)
    %dma_wait3A_41 = arith.constant 0 : i32
    %dma_wait3A_42 = tpu.memref_slice %arg4[%mul3A_2, %dma_wait3A_41] : memref<147456x384xf32, #tpu.memory_space<hbm>> -> memref<144x384xf32, #tpu.memory_space<hbm>>
    %dma_wait3A_43 = arith.constant 0 : i32
    %dma_wait3A_44 = tpu.memref_slice %arg4[%mul3A_2, %dma_wait3A_43] : memref<147456x384xf32, #tpu.memory_space<hbm>> -> memref<144x384xf32, #tpu.memory_space<hbm>>
    tpu.wait_dma2 semaphore(%arg11 : memref<!tpu.dma_semaphore, #tpu.memory_space<semaphore_mem>>) src(%arg7 : memref<144x384xf32, #tpu.memory_space<vmem>>) dst(%dma_wait3A_44 : memref<144x384xf32, #tpu.memory_space<hbm>>)
    return
  }
}

</mosaic_0001>

<sc_bundles>
// kernel: kernel.3.cloned.1.call-start
scs
__scs_entry_jumppad:
0x0: {  	(pc) =	sbr.rel $0x88, $3  }
0x1: {  	(tag) =	ssettag $0x0;
	lr =	simm.s32 $0x1  }
0x2: {  	[smem:$0x3F9F] =	sst lr;
	_ =	strace $0xD0000000  }
0x3: {  	_ = 	snop  }
0x4: {  	_ = 	snop  }
0x5: {  	_ = 	snop  }
0x6: {  	_ = 	snop  }
0x7: {  	_ = 	snop  }
__scs_overlays_trampoline_lowered:
0x8: {  	[smem:$0x3FAE] =	sst s0  }
0x9: {  	[smem:$0x3FAF] =	sst s1  }
0xa: {  	[smem:$0x3FB0] =	sst s2  }
0xb: {  	[smem:$0x3FB1] =	sst s3  }
0xc: {  	[smem:$0x3FB2] =	sst s4  }
0xd: {  	[smem:$0x3FB3] =	sst s5  }
0xe: {  	[smem:$0x3FB4] =	sst s6  }
0xf: {  	[smem:$0x3FB5] =	sst s7  }
0x10: {  	[smem:$0x3FB6] =	sst s8  }
0x11: {  	[smem:$0x3FB7] =	sst s9;
	s0 =	simm.s32 @!p0 $0x0  }
0x12: {  	s1 =	sld [smem:$0x3F9D];
	s0 =	simm.s32 @p0 $0x1  }
0x13: {  	[smem:$0x3FB8] =	sst s0;
	s0 =	simm.s32 @!p1 $0x0  }
0x14: {  	s2 =	sld [smem:$0x3F9C];
	s0 =	simm.s32 @p1 $0x1  }
0x15: {  	[smem:$0x3FB9] =	sst s0;
	s0 =	simm.s32 @!p2 $0x0  }
0x16: {  	s3 =	sld [smem:$0x3FDB];
	s0 =	simm.s32 @p2 $0x1  }
0x17: {  	s4 =	simm.s32 $0x1BF5;
	[smem:$0x3FBB] =	sst s0  }
0x18: {  	s0 =	sld [smem:$0x3F9E];
	_ =	swait.ge [sflag:s4], $0x0  }
0x19: {  	s7 =	sld [smem:$0x3F9F]  }
0x1a: {  	s8 =	sadd.s32 $0xFFFFE003, lr  }
0x1b: {  	s9 =	sadd.s32 $0xFFFFFEF7, lr;
	s5 =	simm.s32 $0xFFFFFFFF;
	p2 =	slt.u32 s8, $0xFFFFF086  }
0x1c: {  	p1 =	slt.u32 s9, $0xF7A;
	s5 =	simm.s32 @!p2 $0x0  }
0x1d: {  	s5 =	simm.s32 @p1 $0x1;
	p0 =	seq.s32 s7, s2  }
0x1e: {  	s7 =	smul.u32 @!p0 $0xF7A, s2;
	p2 =	seq.s32 @!p0 s5, $0x0  }
0x1f: {  	s9 =	smul.u32 $0xF7A, s1;
	s8 =	simm.s32 @!p0 $0x1BF5;
	p2 =	por !p2, p0  }
0x20: {  	[sflag:s8] =	ssyncset.s32 @!p0 $0xFFFFF086;
	s6 =	sadd.s32 @!p0 s3, s7;
	s7 =	simm.s32 @!p0 $0x108  }
0x21: {  	s3 =	sadd.s32 s3, s9;
	s6 =	sadd.s32 @!p0 $0x88, s6;
	s7 =	simm.s32 @p2 $0x1082  }
0x22: {  	[simem:s7], [sflag:s8] =	dma.local @!p0 [hbm:s6], $0xF7A  }
0x23: {  	s9 =	sor.u32 $0xD0000000, s2;
	s6 =	simm.s32 $0x108;
	_ =	swait.ge @!p0 [sflag:s8], $0x0  }
0x24: {  	s3 =	sadd.s32 $0x88, s3;
	s6 =	simm.s32 @!p1 $0x1082;
	[sflag:s4] =	ssyncset.s32 $0xFFFFF086  }
0x25: {  	[simem:s6], [sflag:s4] =	dma.local [hbm:s3], $0xF7A  }
0x26: {  	[smem:$0x3F9F] =	sst s1;
	(tag) =	ssettag s2;
	_ =	strace s9  }
0x27: {  	s1 =	sld [smem:$0x3FAF]  }
0x28: {  	s2 =	sld [smem:$0x3FB0]  }
0x29: {  	s4 =	sld [smem:$0x3FB2]  }
0x2a: {  	p0 =	seq.s32 s5, $0x0;
	s5 =	sld [smem:$0x3FB3]  }
0x2b: {  	s6 =	sld [smem:$0x3FB4]  }
0x2c: {  	s7 =	sld [smem:$0x3FB5]  }
0x2d: {  	s3 =	simm.s32 $0x108;
	s8 =	sld [smem:$0x3FB6]  }
0x2e: {  	s3 =	simm.s32 @!p0 $0x1082;
	s9 =	sld [smem:$0x3FB7]  }
0x2f: {  	lr =	sadd.s32 s0, s3;
	s0 =	sld [smem:$0x3FAE]  }
0x30: {  	s3 =	sld [smem:$0x3FB1]  }
0x31: {  	[smem:$0x3FBA] =	sst s10  }
0x32: {  	s10 =	sld [smem:$0x3FB8];
	_ =	sdelay $0x3  }
0x33: {  	p0 =	seq.s32 s10, $0x1;
	s10 =	sld [smem:$0x3FBA];
	_ =	sdelay $0x3  }
0x34: {  	[smem:$0x3FBA] =	sst s10  }
0x35: {  	s10 =	sld [smem:$0x3FB9];
	_ =	sdelay $0x3  }
0x36: {  	p1 =	seq.s32 s10, $0x1;
	s10 =	sld [smem:$0x3FBA];
	_ =	sdelay $0x3  }
0x37: {  	[smem:$0x3FBA] =	sst s10  }
0x38: {  	s10 =	sld [smem:$0x3FBB]  }
0x39: {  	_ = 	snop;
	(pc) =	sbr.ind lr, $3  }
0x3a: {  	_ = 	snop  }
0x3b: {  	_ = 	snop  }
0x3c: {  	p2 =	seq.s32 s10, $0x1;
	s10 =	sld [smem:$0x3FBA]  }
0x3d: {  	_ =	shalt  }
0x3e: {  	_ =	shalt  }
0x3f: {  	_ =	shalt  }
0x40: {  	_ =	shalt  }
0x41: {  	_ =	shalt  }
0x42: {  	_ =	shalt  }
0x43: {  	_ =	shalt  }
0x44: {  	_ =	shalt  }
0x45: {  	_ =	shalt  }
0x46: {  	_ =	shalt  }
0x47: {  	_ =	shalt  }
0x48: {  	_ =	shalt  }
0x49: {  	_ =	shalt  }
0x4a: {  	_ =	shalt  }
0x4b: {  	_ =	shalt  }
0x4c: {  	_ =	shalt  }
0x4d: {  	_ =	shalt  }
0x4e: {  	_ =	shalt  }
0x4f: {  	_ =	shalt  }
0x50: {  	_ =	shalt  }
0x51: {  	_ =	shalt  }
0x52: {  	_ =	shalt  }
0x53: {  	_ =	shalt  }
0x54: {  	_ =	shalt  }
0x55: {  	_ =	shalt  }
0x56: {  	_ =	shalt  }
0x57: {  	_ =	shalt  }
0x58: {  	_ =	shalt  }
0x59: {  	_ =	shalt  }
0x5a: {  	_ =	shalt  }
0x5b: {  	_ =	shalt  }
0x5c: {  	_ =	shalt  }
0x5d: {  	_ =	shalt  }
0x5e: {  	_ =	shalt  }
0x5f: {  	_ =	shalt  }
0x60: {  	_ =	shalt  }
0x61: {  	_ =	shalt  }
0x62: {  	_ =	shalt  }
0x63: {  	_ =	shalt  }
0x64: {  	_ =	shalt  }
0x65: {  	_ =	shalt  }
0x66: {  	_ =	shalt  }
0x67: {  	_ =	shalt  }
0x68: {  	_ =	shalt  }
0x69: {  	_ =	shalt  }
0x6a: {  	_ =	shalt  }
0x6b: {  	_ =	shalt  }
0x6c: {  	_ =	shalt  }
0x6d: {  	_ =	shalt  }
0x6e: {  	_ =	shalt  }
0x6f: {  	_ =	shalt  }
0x70: {  	_ =	shalt  }
0x71: {  	_ =	shalt  }
0x72: {  	_ =	shalt  }
0x73: {  	_ =	shalt  }
0x74: {  	_ =	shalt  }
0x75: {  	_ =	shalt  }
0x76: {  	_ =	shalt  }
0x77: {  	_ =	shalt  }
0x78: {  	_ =	shalt  }
0x79: {  	_ =	shalt  }
0x7a: {  	_ =	shalt  }
0x7b: {  	_ =	shalt  }
0x7c: {  	_ =	shalt  }
0x7d: {  	_ =	shalt  }
0x7e: {  	_ =	shalt  }
0x7f: {  	_ =	shalt  }
0x80: {  	_ =	shalt  }
0x81: {  	_ =	shalt  }
0x82: {  	_ =	shalt  }
0x83: {  	_ =	shalt  }
0x84: {  	_ =	shalt  }
0x85: {  	_ =	shalt  }
0x86: {  	_ =	shalt  }
0x87: {  	_ =	shalt  }
.Lfunc_end0:
.L_simem_size_0:
called_computation.2_lowered:
.L_overlay_start_0:
0x88: {  	s2 =	sld [smem:$0x3FD9]  }
0x89: {  	s3 =	sld [smem:$0x3FFE];
	_ =	sdelay $0x1  }
0x8a: {  	s1 =	srdreg.scid  }
0x8b: {  	s0 =	sand.u32 $0x1, s1  }
0x8c: {  	s17 =	sshll.u32 s0, $0xA;
	s2 =	sadd.s32 s3, s2  }
0x8d: {  	s2 =	sadd.s32 s2, s17  }
0x8e: {  	[smem:$0x3FC6] =	sst s2  }
0x8f: {  	_ = 	snop  }
0x90: {  	s2 =	sld [smem:$0x3FD0];
	(tm) =	ssettm $0x1  }
0x91: {  	s18 =	sld [smem:$0x3FFB];
	_ =	sdelay $0x3  }
0x92: {  	_ =	strace s18  }
0x93: {  	s3 =	sld [smem:$0x3FFC];
	_ =	sdelay $0x3  }
0x94: {  	_ =	strace s3  }
0x95: {  	s3 =	sld [smem:$0x3FFD];
	_ =	sdelay $0x3  }
0x96: {  	_ =	strace s3  }
0x97: {  	_ =	strace $0x8FFFFFFF  }
0x98: {  	s19 =	sld [smem:$0x3FDB];
	_ =	sdelay $0x1  }
0x99: {  	s4 =	simm.s32 $_scs_section_size  }
0x9a: {  	s5 =	simm.s32 $_size__tile_overlayer_lowered;
	s6 =	simm.s32 $_tile_overlayer_lowered  }
0x9b: {  	s22 =	simm.s32 $0x1BFF;
	s21 =	sshll.u32 s6, $0x1;
	s3 =	sadd.s32 s4, s19  }
0x9c: {  	s7 =	simm.s32 $0x0;
	s20 =	sshll.u32 s5, $0x1;
	s5 =	sadd.s32 s21, s3  }
0x9d: {  	[timem:s7], [sflag:s22] =	dma.local [hbm:s5], s20  }
0x9e: {  	_ =	swait.ge [sflag:s22], s20  }
0x9f: {  	s4 =	ssub.s32 $0x0, s20;
	[sflag:s22] =	ssyncset.done $0x0  }
0xa0: {  	[sflag:s22] =	ssyncadd.s32 s4;
	_ =	sdelay $0x1  }
0xa1: {  	s23 =	simm.s32 $0x1B8B  }
0xa2: {  	_ =	swait.ge [sflag:s23], $0x1  }
0xa3: {  	[sflag:s23] =	ssyncset.done $0x0  }
0xa4: {  	s25 =	simm.s32 $0x1B8E;
	s24 =	sld [smem:$0x3FFE];
	[sflag:s23] =	ssyncadd.s32 $0xFFFFFFFF  }
0xa5: {  	s26 =	simm.s32 $execute0_lowered;
	[smem:$0x3FD2] =	sst s25  }
0xa6: {  	s5 =	sshll.u32 s26, $0x1;
	_ =	strace $0x80000049;
	[dreg:$0x1] =	wrdreg $0xFFFFFFFF  }
0xa7: {  	s28 =	simm.s32 $_size_execute0_lowered;
	s3 =	sadd.s32 s3, s5;
	[dreg:$0x0] =	wrdreg $0x0  }
0xa8: {  	s5 =	sshll.u32 s28, $0x1;
	[dreg:$0x2] =	wrdreg s3  }
0xa9: {  	[dreg:$0x3] =	wrdreg s5  }
0xaa: {  	[dreg:$0x4] =	wrdreg $0xC0  }
0xab: {  	_ =	task [dreg:s7], $0x5FFFF  }
0xac: {  	[dreg:$0x1] =	wrdreg $0xFFFFFFFF  }
0xad: {  	[dreg:$0x0] =	wrdreg $0x60  }
0xae: {  	[dreg:$0x2] =	wrdreg s2  }
0xaf: {  	[dreg:$0x3] =	wrdreg s24  }
0xb0: {  	[dreg:$0x4] =	wrdreg $0x9  }
0xb1: {  	_ =	task.clear_ibuf [dreg:s7], $0x5FFFF;
	_ =	strace $0x90000049  }
0xb2: {  	s29 =	simm.s32 $0x9;
	_ =	strace $0x8000004B  }
0xb3: {  	_ =	swait.ge [sflag:s29], $0x1  }
0xb4: {  	[sflag:s29] =	ssyncadd.s32 $0xFFFFFFFF  }
0xb5: {  	_ =	strace $0x9000004B  }
0xb6: {  	_ =	sfence  }
0xb7: {  	s30 =	sld [smem:$0x0];
	_ =	sdelay $0x2  }
0xb8: {  	s31 =	sshll.u32 s1, $0xD;
	s1 =	sshrl.u32 s1, $0x2  }
0xb9: {  	s3 =	sand.u32 $0x4000, s31;
	s1 =	sadd.s32 s1, s30  }
0xba: {  	s0 =	sor.u32 s3, s0;
	s1 =	sshll.u32 s1, $0x11  }
0xbb: {  	s0 =	sor.u32 s1, s0  }
0xbc: {  	s0 =	sadd.s32 $0x8F2B, s0  }
0xbd: {  	[sflag:s0] =	ssyncadd.remote.s32 $0x1  }
0xbe: {  	_ =	sfence.sel $0xFFFF  }
0xbf: {  	[dreg:$0x0] =	wrdreg $0xFFFFFFFF;
	(pc) =	sbr.abs _section_cstart, $3  }
0xc0: {  	[dreg:$0x1] =	wrdreg $0xFFFFFFFF  }
0xc1: {  	_ =	task.clear_ibuf [dreg:s7], $0x2FFFF;
	_ =	strace $0x9FFFFFFF  }
0xc2: {  	(tm) =	ssettm $0x7FFFFFFF  }
0xc3: {  	_ =	shalt  }
tec
execute0_lowered:
.L_overlay_start_1:
0x0: {  	(tag) =	ssettag $0x1  }
0x1: {  	s0 =	srdreg.scid  }
0x2: {  	s5 =	stileid.u32;
	s2 =	rddreg [dreg:$0x0]  }
0x3: {  	s4 =	rddreg [dreg:$0x1];
	s3 =	simm.s32 $0x0;
	s19 =	simm.s32 $0x1200  }
0x4: {  	s28 =	simm.s32 $0x2A00;
	s11 =	simm.s32 $0x3200;
	s12 =	simm.s32 $0x3600  }
0x5: {  	s13 =	simm.s32 $0x3E00;
	s14 =	simm.s32 $0x4200;
	s15 =	simm.s32 $0x4A00  }
0x6: {  	s16 =	simm.s32 $0x4E00;
	s17 =	simm.s32 $0x5600;
	s18 =	simm.s32 $0x5A00  }
0x7: {  	s20 =	simm.s32 $0x6200;
	s21 =	simm.s32 $0x6600;
	s22 =	simm.s32 $0x6E00  }
0x8: {  	s23 =	simm.s32 $0x7200;
	s24 =	simm.s32 $0x7A00;
	s10 =	simm.s32 $0x9200  }
0x9: {  	s29 =	simm.s32 $0x9600;
	s9 =	simm.s32 $0xEA00;
	s30 =	simm.s32 $0x1  }
0xa: {  	s0 =	sand.u32 $0x1, s0;
	s1 =	sshll.u32 s5, $0x1;
	s5 =	smul.u32 $0x2400, s5  }
0xb: {  	s31 =	simm.s32 $0x2;
	s1 =	sor.u32 s0, s1;
	s6 =	smul.u32 $0x1200, s0  }
0xc: {  	[smem:$0x7FF] =	sst s3;
	s0 =	ssub.s32 $0x2, s0;
	s1 =	smul.u32 $0x1200, s1  }
0xd: {  	_ =	strace $0x8000004A;
	s8 =	sshrl.u32 s0, $0x1;
	s5 =	sadd.s32 s6, s5  }
0xe: {  	s0 =	ssub.s32 s0, s8;
	s8 =	simm.s32 $0x2600;
	s1 =	sshrl.u32 s1, $0x3  }
0xf: {  	s6 =	sshrl.u32 s5, $0x3;
	s5 =	sor.u32 $0x90, s5;
	s0 =	smax.u32 s0, $0x1  }
0x10: {  	s7 =	sadd.s32 s1, s4;
	s4 =	sadd.s32 $0x5600, s4;
	s1 =	smul.u32 $0x180, s1  }
0x11: {  	s6 =	smul.u32 $0x180, s6;
	s5 =	sshrl.u32 s5, $0x3;
	[dreg:$0x8] =	wrdreg s0  }
0x12: {  	s0 =	simm.s32 $0x4;
	s7 =	sadd.s32 $0xE00, s7;
	s25 =	smul.u32 $0x180, s5  }
0x13: {  	[dreg:$0x5] =	wrdreg s7;
	s1 =	sadd.s32 s4, s1;
	s6 =	sadd.s32 s6, s4  }
0x14: {  	s5 =	sadd.s32 $0x100, s2;
	s26 =	sadd.s32 $0x32A00, s1;
	[dreg:$0x3] =	wrdreg s6  }
0x15: {  	s7 =	simm.s32 $0x1A00;
	s1 =	sadd.s32 $0x34500, s1;
	[dreg:$0x6] =	wrdreg s26  }
0x16: {  	v2 =	vlaneseq.u32;
	s4 =	sadd.s32 s25, s4;
	s6 =	simm.s32 $0x1E00;
	[dreg:$0x7] =	wrdreg s1  }
0x17: {  	vm0 =	vmmov $0xffff;
	vm1 =	vmmov $0xff;
	v1 =	vshrl.u32 v2, $0x3;
	s25 =	simm.s32 $0x7E00;
	[dreg:$0x4] =	wrdreg s4;
	s4 =	simm.s32 $0x0  }
0x18: {  	v0 =	vand.u32 $0x7, v2;
	v2 =	vor.u32 $0x8, v2;
	v1 =	vmul.u32 $0x8, v1;
	s26 =	simm.s32 $0x8600;
	s1 =	simm.s32 $0x3;
	[dreg:$0x9] =	wrdreg s4  }
.LBB2_1:
0x19: {  	s4 =	rddreg [dreg:$0x5]  }
0x1a: {  	[tilespmem:s3], [sflag:$0x5] =	stream.linear.gather [hbm4b:s4+s3], $0x1200, $0x38;
	[tilespmem:$0x1C200] =	vst v63  }
0x1b: {  	s4 =	simm.s32 $0x5  }
0x1c: {  	_ =	swait.ge [sflag:s4], $0x1200  }
0x1d: {  	[sflag:s4] =	ssyncset.done $0x0  }
0x1e: {  	[sflag:s4] =	ssyncadd.s32 $0xFFFFEE00  }
0x1f: {  	v3 =	vld [tilespmem:$0x0];
	_ =	sdelay $0x4  }
0x20: {  	v4 =	vshrl.u32 v3, $0x3  }
0x21: {  	v4 =	vmul.u32 $0x18, v4  }
0x22: {  	v3 =	vand.u32 $0x7, v3  }
0x23: {  	v3 =	vor.u32 v3, v4  }
0x24: {  	v4 =	vperm.xlane v3, v0;
	_ =	sdelay $0x1  }
0x25: {  	v4 =	vadd.s32 v1, v4;
	_ =	sdelay $0x1  }
0x26: {  	v3 =	vperm.xlane v3, v2;
	_ =	sdelay $0x1  }
0x27: {  	v3 =	vadd.s32 v1, v3  }
0x28: {  	[tilespmem:s19], [sflag:$0x1] =	stream.indirect_vreg.gather [hbm4b:s2+s3], $0x80, v4, vm0, $0xb8;
	[tilespmem:$0x1C200] =	vst v63  }
0x29: {  	_ = 	snop  }
0x2a: {  	[tilespmem:s7], [sflag:$0x1] =	stream.indirect_vreg.gather [hbm4b:s5+s3], $0x80, v4, vm1, $0xb8;
	[tilespmem:$0x1C200] =	vst v63  }
0x2b: {  	_ = 	snop  }
0x2c: {  	[tilespmem:s6], [sflag:$0x1] =	stream.indirect_vreg.gather [hbm4b:s2+s3], $0x80, v3, vm0, $0xb8;
	[tilespmem:$0x1C200] =	vst v63  }
0x2d: {  	_ = 	snop  }
0x2e: {  	[tilespmem:s8], [sflag:$0x1] =	stream.indirect_vreg.gather [hbm4b:s5+s3], $0x80, v3, vm1, $0xb8;
	[tilespmem:$0x1C200] =	vst v63  }
0x2f: {  	v3 =	vld [tilespmem:$0x10];
	_ =	sdelay $0x4  }
0x30: {  	v47 =	vshrl.u32 v3, $0x3  }
0x31: {  	v4 =	vmul.u32 $0x18, v47  }
0x32: {  	v3 =	vand.u32 $0x7, v3  }
0x33: {  	v3 =	vor.u32 v3, v4  }
0x34: {  	v4 =	vperm.xlane v3, v0;
	_ =	sdelay $0x1  }
0x35: {  	v4 =	vadd.s32 v1, v4;
	_ =	sdelay $0x1  }
0x36: {  	v3 =	vperm.xlane v3, v2;
	_ =	sdelay $0x1  }
0x37: {  	v3 =	vadd.s32 v1, v3  }
0x38: {  	[tilespmem:s28], [sflag:$0x1] =	stream.indirect_vreg.gather [hbm4b:s2+s3], $0x80, v4, vm0, $0xb8;
	[tilespmem:$0x1C200] =	vst v63  }
0x39: {  	_ = 	snop  }
0x3a: {  	[tilespmem:s11], [sflag:$0x1] =	stream.indirect_vreg.gather [hbm4b:s5+s3], $0x80, v4, vm1, $0xb8;
	[tilespmem:$0x1C200] =	vst v63  }
0x3b: {  	_ = 	snop  }
0x3c: {  	[tilespmem:s12], [sflag:$0x1] =	stream.indirect_vreg.gather [hbm4b:s2+s3], $0x80, v3, vm0, $0xb8;
	[tilespmem:$0x1C200] =	vst v63  }
0x3d: {  	_ = 	snop  }
0x3e: {  	[tilespmem:s13], [sflag:$0x1] =	stream.indirect_vreg.gather [hbm4b:s5+s3], $0x80, v3, vm1, $0xb8;
	[tilespmem:$0x1C200] =	vst v63  }
0x3f: {  	v3 =	vld [tilespmem:$0x20];
	_ =	sdelay $0x4  }
0x40: {  	v48 =	vshrl.u32 v3, $0x3  }
0x41: {  	v4 =	vmul.u32 $0x18, v48  }
0x42: {  	v3 =	vand.u32 $0x7, v3  }
0x43: {  	v3 =	vor.u32 v3, v4  }
0x44: {  	v4 =	vperm.xlane v3, v0;
	_ =	sdelay $0x1  }
0x45: {  	v4 =	vadd.s32 v1, v4;
	_ =	sdelay $0x1  }
0x46: {  	v3 =	vperm.xlane v3, v2;
	_ =	sdelay $0x1  }
0x47: {  	v3 =	vadd.s32 v1, v3  }
0x48: {  	[tilespmem:s14], [sflag:$0x1] =	stream.indirect_vreg.gather [hbm4b:s2+s3], $0x80, v4, vm0, $0xb8;
	[tilespmem:$0x1C200] =	vst v63  }
0x49: {  	_ = 	snop  }
0x4a: {  	[tilespmem:s15], [sflag:$0x1] =	stream.indirect_vreg.gather [hbm4b:s5+s3], $0x80, v4, vm1, $0xb8;
	[tilespmem:$0x1C200] =	vst v63  }
0x4b: {  	_ = 	snop  }
0x4c: {  	[tilespmem:s16], [sflag:$0x1] =	stream.indirect_vreg.gather [hbm4b:s2+s3], $0x80, v3, vm0, $0xb8;
	[tilespmem:$0x1C200] =	vst v63  }
0x4d: {  	_ = 	snop  }
0x4e: {  	[tilespmem:s17], [sflag:$0x1] =	stream.indirect_vreg.gather [hbm4b:s5+s3], $0x80, v3, vm1, $0xb8;
	[tilespmem:$0x1C200] =	vst v63  }
0x4f: {  	v3 =	vld [tilespmem:$0x30];
	_ =	sdelay $0x4  }
0x50: {  	v49 =	vshrl.u32 v3, $0x3  }
0x51: {  	v4 =	vmul.u32 $0x18, v49  }
0x52: {  	v3 =	vand.u32 $0x7, v3  }
0x53: {  	v3 =	vor.u32 v3, v4  }
0x54: {  	v4 =	vperm.xlane v3, v0;
	_ =	sdelay $0x1  }
0x55: {  	v4 =	vadd.s32 v1, v4;
	_ =	sdelay $0x1  }
0x56: {  	v3 =	vperm.xlane v3, v2;
	_ =	sdelay $0x1  }
0x57: {  	v3 =	vadd.s32 v1, v3  }
0x58: {  	[tilespmem:s18], [sflag:$0x1] =	stream.indirect_vreg.gather [hbm4b:s2+s3], $0x80, v4, vm0, $0xb8;
	[tilespmem:$0x1C200] =	vst v63  }
0x59: {  	_ = 	snop  }
0x5a: {  	[tilespmem:s20], [sflag:$0x1] =	stream.indirect_vreg.gather [hbm4b:s5+s3], $0x80, v4, vm1, $0xb8;
	[tilespmem:$0x1C200] =	vst v63  }
0x5b: {  	_ = 	snop  }
0x5c: {  	[tilespmem:s21], [sflag:$0x1] =	stream.indirect_vreg.gather [hbm4b:s2+s3], $0x80, v3, vm0, $0xb8;
	[tilespmem:$0x1C200] =	vst v63  }
0x5d: {  	_ = 	snop  }
0x5e: {  	[tilespmem:s22], [sflag:$0x1] =	stream.indirect_vreg.gather [hbm4b:s5+s3], $0x80, v3, vm1, $0xb8;
	[tilespmem:$0x1C200] =	vst v63  }
0x5f: {  	v3 =	vld [tilespmem:$0x40];
	_ =	sdelay $0x4  }
0x60: {  	v50 =	vshrl.u32 v3, $0x3  }
0x61: {  	v4 =	vmul.u32 $0x18, v50  }
0x62: {  	v3 =	vand.u32 $0x7, v3  }
0x63: {  	v3 =	vor.u32 v3, v4  }
0x64: {  	v4 =	vperm.xlane v3, v0;
	_ =	sdelay $0x1  }
0x65: {  	v4 =	vadd.s32 v1, v4;
	_ =	sdelay $0x1  }
0x66: {  	v3 =	vperm.xlane v3, v2;
	_ =	sdelay $0x1  }
0x67: {  	v3 =	vadd.s32 v1, v3  }
0x68: {  	[tilespmem:s23], [sflag:$0x1] =	stream.indirect_vreg.gather [hbm4b:s2+s3], $0x80, v4, vm0, $0xb8;
	[tilespmem:$0x1C200] =	vst v63  }
0x69: {  	_ = 	snop  }
0x6a: {  	[tilespmem:s24], [sflag:$0x1] =	stream.indirect_vreg.gather [hbm4b:s5+s3], $0x80, v4, vm1, $0xb8;
	[tilespmem:$0x1C200] =	vst v63  }
0x6b: {  	_ = 	snop  }
0x6c: {  	[tilespmem:s25], [sflag:$0x1] =	stream.indirect_vreg.gather [hbm4b:s2+s3], $0x80, v3, vm0, $0xb8;
	[tilespmem:$0x1C200] =	vst v63  }
0x6d: {  	_ = 	snop  }
0x6e: {  	[tilespmem:s26], [sflag:$0x1] =	stream.indirect_vreg.gather [hbm4b:s5+s3], $0x80, v3, vm1, $0xb8;
	[tilespmem:$0x1C200] =	vst v63  }
0x6f: {  	v3 =	vld [tilespmem:$0x50];
	_ =	sdelay $0x4  }
0x70: {  	v51 =	vshrl.u32 v3, $0x3  }
0x71: {  	v4 =	vmul.u32 $0x18, v51  }
0x72: {  	v3 =	vand.u32 $0x7, v3  }
0x73: {  	v3 =	vor.u32 v3, v4  }
0x74: {  	v4 =	vperm.xlane v3, v0;
	_ =	sdelay $0x1  }
0x75: {  	v4 =	vadd.s32 v1, v4;
	_ =	sdelay $0x1  }
0x76: {  	v3 =	vperm.xlane v3, v2;
	_ =	sdelay $0x1  }
0x77: {  	s23 =	simm.s32 $0x8A00;
	v3 =	vadd.s32 v1, v3  }
0x78: {  	[tilespmem:s23], [sflag:$0x1] =	stream.indirect_vreg.gather [hbm4b:s2+s3], $0x80, v4, vm0, $0xb8;
	[tilespmem:$0x1C200] =	vst v63  }
0x79: {  	_ = 	snop  }
0x7a: {  	[tilespmem:s10], [sflag:$0x1] =	stream.indirect_vreg.gather [hbm4b:s5+s3], $0x80, v4, vm1, $0xb8;
	[tilespmem:$0x1C200] =	vst v63  }
0x7b: {  	_ = 	snop  }
0x7c: {  	[tilespmem:s29], [sflag:$0x1] =	stream.indirect_vreg.gather [hbm4b:s2+s3], $0x80, v3, vm0, $0xb8;
	[tilespmem:$0x1C200] =	vst v63  }
0x7d: {  	s24 =	simm.s32 $0x9E00  }
0x7e: {  	[tilespmem:s24], [sflag:$0x1] =	stream.indirect_vreg.gather [hbm4b:s5+s3], $0x80, v3, vm1, $0xb8;
	[tilespmem:$0x1C200] =	vst v63  }
0x7f: {  	v3 =	vld [tilespmem:$0x60];
	_ =	sdelay $0x4  }
0x80: {  	v52 =	vshrl.u32 v3, $0x3  }
0x81: {  	v4 =	vmul.u32 $0x18, v52  }
0x82: {  	v3 =	vand.u32 $0x7, v3  }
0x83: {  	v3 =	vor.u32 v3, v4  }
0x84: {  	v4 =	vperm.xlane v3, v0;
	_ =	sdelay $0x1  }
0x85: {  	v4 =	vadd.s32 v1, v4;
	_ =	sdelay $0x1  }
0x86: {  	v3 =	vperm.xlane v3, v2;
	_ =	sdelay $0x1  }
0x87: {  	s25 =	simm.s32 $0xA200;
	v3 =	vadd.s32 v1, v3  }
0x88: {  	[tilespmem:s25], [sflag:$0x1] =	stream.indirect_vreg.gather [hbm4b:s2+s3], $0x80, v4, vm0, $0xb8;
	[tilespmem:$0x1C200] =	vst v63  }
0x89: {  	s26 =	simm.s32 $0xAA00  }
0x8a: {  	[tilespmem:s26], [sflag:$0x1] =	stream.indirect_vreg.gather [hbm4b:s5+s3], $0x80, v4, vm1, $0xb8;
	[tilespmem:$0x1C200] =	vst v63  }
0x8b: {  	s6 =	simm.s32 $0xAE00  }
0x8c: {  	[tilespmem:s6], [sflag:$0x1] =	stream.indirect_vreg.gather [hbm4b:s2+s3], $0x80, v3, vm0, $0xb8;
	[tilespmem:$0x1C200] =	vst v63  }
0x8d: {  	s7 =	simm.s32 $0xB600  }
0x8e: {  	[tilespmem:s7], [sflag:$0x1] =	stream.indirect_vreg.gather [hbm4b:s5+s3], $0x80, v3, vm1, $0xb8;
	[tilespmem:$0x1C200] =	vst v63  }
0x8f: {  	v3 =	vld [tilespmem:$0x70];
	_ =	sdelay $0x4  }
0x90: {  	v53 =	vshrl.u32 v3, $0x3  }
0x91: {  	v4 =	vmul.u32 $0x18, v53  }
0x92: {  	v3 =	vand.u32 $0x7, v3  }
0x93: {  	v3 =	vor.u32 v3, v4  }
0x94: {  	v4 =	vperm.xlane v3, v0;
	_ =	sdelay $0x1  }
0x95: {  	v4 =	vadd.s32 v1, v4;
	_ =	sdelay $0x1  }
0x96: {  	v3 =	vperm.xlane v3, v2;
	_ =	sdelay $0x1  }
0x97: {  	s8 =	simm.s32 $0xBA00;
	v3 =	vadd.s32 v1, v3  }
0x98: {  	[tilespmem:s8], [sflag:$0x1] =	stream.indirect_vreg.gather [hbm4b:s2+s3], $0x80, v4, vm0, $0xb8;
	[tilespmem:$0x1C200] =	vst v63  }
0x99: {  	s10 =	simm.s32 $0xC200  }
0x9a: {  	[tilespmem:s10], [sflag:$0x1] =	stream.indirect_vreg.gather [hbm4b:s5+s3], $0x80, v4, vm1, $0xb8;
	[tilespmem:$0x1C200] =	vst v63  }
0x9b: {  	s11 =	simm.s32 $0xC600  }
0x9c: {  	[tilespmem:s11], [sflag:$0x1] =	stream.indirect_vreg.gather [hbm4b:s2+s3], $0x80, v3, vm0, $0xb8;
	[tilespmem:$0x1C200] =	vst v63  }
0x9d: {  	s12 =	simm.s32 $0xCE00  }
0x9e: {  	[tilespmem:s12], [sflag:$0x1] =	stream.indirect_vreg.gather [hbm4b:s5+s3], $0x80, v3, vm1, $0xb8;
	[tilespmem:$0x1C200] =	vst v63  }
0x9f: {  	v3 =	vld [tilespmem:$0x80];
	_ =	sdelay $0x4  }
0xa0: {  	v54 =	vshrl.u32 v3, $0x3  }
0xa1: {  	v4 =	vmul.u32 $0x18, v54  }
0xa2: {  	v3 =	vand.u32 $0x7, v3  }
0xa3: {  	v3 =	vor.u32 v3, v4  }
0xa4: {  	v4 =	vperm.xlane v3, v0;
	_ =	sdelay $0x1  }
0xa5: {  	v4 =	vadd.s32 v1, v4;
	_ =	sdelay $0x1  }
0xa6: {  	v3 =	vperm.xlane v3, v2;
	_ =	sdelay $0x1  }
0xa7: {  	s13 =	simm.s32 $0xD200;
	v3 =	vadd.s32 v1, v3  }
0xa8: {  	[tilespmem:s13], [sflag:$0x1] =	stream.indirect_vreg.gather [hbm4b:s2+s3], $0x80, v4, vm0, $0xb8;
	[tilespmem:$0x1C200] =	vst v63  }
0xa9: {  	s14 =	simm.s32 $0xDA00  }
0xaa: {  	[tilespmem:s14], [sflag:$0x1] =	stream.indirect_vreg.gather [hbm4b:s5+s3], $0x80, v4, vm1, $0xb8;
	[tilespmem:$0x1C200] =	vst v63  }
0xab: {  	s15 =	simm.s32 $0xDE00  }
0xac: {  	[tilespmem:s15], [sflag:$0x1] =	stream.indirect_vreg.gather [hbm4b:s2+s3], $0x80, v3, vm0, $0xb8;
	[tilespmem:$0x1C200] =	vst v63  }
0xad: {  	s16 =	simm.s32 $0xE600  }
0xae: {  	[tilespmem:s16], [sflag:$0x1] =	stream.indirect_vreg.gather [hbm4b:s5+s3], $0x80, v3, vm1, $0xb8;
	[tilespmem:$0x1C200] =	vst v63  }
0xaf: {  	v3 =	vld [tilespmem:$0x90];
	_ =	sdelay $0x4  }
0xb0: {  	v55 =	vshrl.u32 v3, $0x3  }
0xb1: {  	v4 =	vmul.u32 $0x18, v55  }
0xb2: {  	v3 =	vand.u32 $0x7, v3  }
0xb3: {  	v3 =	vor.u32 v3, v4  }
0xb4: {  	v4 =	vperm.xlane v3, v0;
	_ =	sdelay $0x1  }
0xb5: {  	v4 =	vadd.s32 v1, v4;
	_ =	sdelay $0x1  }
0xb6: {  	v3 =	vperm.xlane v3, v2;
	_ =	sdelay $0x1  }
0xb7: {  	v3 =	vadd.s32 v1, v3  }
0xb8: {  	[tilespmem:s9], [sflag:$0x2] =	stream.indirect_vreg.gather [hbm4b:s2+s3], $0x80, v4, vm0, $0xb8;
	[tilespmem:$0x1C200] =	vst v63  }
0xb9: {  	s17 =	simm.s32 $0xF200  }
0xba: {  	[tilespmem:s17], [sflag:$0x2] =	stream.indirect_vreg.gather [hbm4b:s5+s3], $0x80, v4, vm1, $0xb8;
	[tilespmem:$0x1C200] =	vst v63  }
0xbb: {  	s18 =	simm.s32 $0xF600  }
0xbc: {  	[tilespmem:s18], [sflag:$0x2] =	stream.indirect_vreg.gather [hbm4b:s2+s3], $0x80, v3, vm0, $0xb8;
	[tilespmem:$0x1C200] =	vst v63  }
0xbd: {  	s19 =	simm.s32 $0xFE00  }
0xbe: {  	[tilespmem:s19], [sflag:$0x2] =	stream.indirect_vreg.gather [hbm4b:s5+s3], $0x80, v3, vm1, $0xb8;
	[tilespmem:$0x1C200] =	vst v63  }
0xbf: {  	v3 =	vld [tilespmem:$0xA0];
	_ =	sdelay $0x4  }
0xc0: {  	v56 =	vshrl.u32 v3, $0x3  }
0xc1: {  	v4 =	vmul.u32 $0x18, v56  }
0xc2: {  	v3 =	vand.u32 $0x7, v3  }
0xc3: {  	v3 =	vor.u32 v3, v4  }
0xc4: {  	v4 =	vperm.xlane v3, v0;
	_ =	sdelay $0x1  }
0xc5: {  	v4 =	vadd.s32 v1, v4;
	_ =	sdelay $0x1  }
0xc6: {  	v3 =	vperm.xlane v3, v2;
	_ =	sdelay $0x1  }
0xc7: {  	s20 =	simm.s32 $0x10200;
	v3 =	vadd.s32 v1, v3  }
0xc8: {  	[tilespmem:s20], [sflag:$0x2] =	stream.indirect_vreg.gather [hbm4b:s2+s3], $0x80, v4, vm0, $0xb8;
	[tilespmem:$0x1C200] =	vst v63  }
0xc9: {  	s21 =	simm.s32 $0x10A00  }
0xca: {  	[tilespmem:s21], [sflag:$0x2] =	stream.indirect_vreg.gather [hbm4b:s5+s3], $0x80, v4, vm1, $0xb8;
	[tilespmem:$0x1C200] =	vst v63  }
0xcb: {  	s22 =	simm.s32 $0x10E00  }
0xcc: {  	[tilespmem:s22], [sflag:$0x2] =	stream.indirect_vreg.gather [hbm4b:s2+s3], $0x80, v3, vm0, $0xb8;
	[tilespmem:$0x1C200] =	vst v63  }
0xcd: {  	s23 =	simm.s32 $0x11600  }
0xce: {  	[tilespmem:s23], [sflag:$0x2] =	stream.indirect_vreg.gather [hbm4b:s5+s3], $0x80, v3, vm1, $0xb8;
	[tilespmem:$0x1C200] =	vst v63  }
0xcf: {  	v3 =	vld [tilespmem:$0xB0];
	_ =	sdelay $0x4  }
0xd0: {  	v57 =	vshrl.u32 v3, $0x3  }
0xd1: {  	v4 =	vmul.u32 $0x18, v57  }
0xd2: {  	v3 =	vand.u32 $0x7, v3  }
0xd3: {  	v3 =	vor.u32 v3, v4  }
0xd4: {  	v4 =	vperm.xlane v3, v0;
	_ =	sdelay $0x1  }
0xd5: {  	v4 =	vadd.s32 v1, v4;
	_ =	sdelay $0x1  }
0xd6: {  	v3 =	vperm.xlane v3, v2;
	_ =	sdelay $0x1  }
0xd7: {  	s24 =	simm.s32 $0x11A00;
	v3 =	vadd.s32 v1, v3  }
0xd8: {  	[tilespmem:s24], [sflag:$0x2] =	stream.indirect_vreg.gather [hbm4b:s2+s3], $0x80, v4, vm0, $0xb8;
	[tilespmem:$0x1C200] =	vst v63  }
0xd9: {  	s25 =	simm.s32 $0x12200  }
0xda: {  	[tilespmem:s25], [sflag:$0x2] =	stream.indirect_vreg.gather [hbm4b:s5+s3], $0x80, v4, vm1, $0xb8;
	[tilespmem:$0x1C200] =	vst v63  }
0xdb: {  	s26 =	simm.s32 $0x12600  }
0xdc: {  	[tilespmem:s26], [sflag:$0x2] =	stream.indirect_vreg.gather [hbm4b:s2+s3], $0x80, v3, vm0, $0xb8;
	[tilespmem:$0x1C200] =	vst v63  }
0xdd: {  	s6 =	simm.s32 $0x12E00  }
0xde: {  	[tilespmem:s6], [sflag:$0x2] =	stream.indirect_vreg.gather [hbm4b:s5+s3], $0x80, v3, vm1, $0xb8;
	[tilespmem:$0x1C200] =	vst v63  }
0xdf: {  	v3 =	vld [tilespmem:$0xC0];
	_ =	sdelay $0x4  }
0xe0: {  	v58 =	vshrl.u32 v3, $0x3  }
0xe1: {  	v4 =	vmul.u32 $0x18, v58  }
0xe2: {  	v3 =	vand.u32 $0x7, v3  }
0xe3: {  	v3 =	vor.u32 v3, v4  }
0xe4: {  	v4 =	vperm.xlane v3, v0;
	_ =	sdelay $0x1  }
0xe5: {  	v4 =	vadd.s32 v1, v4;
	_ =	sdelay $0x1  }
0xe6: {  	v3 =	vperm.xlane v3, v2;
	_ =	sdelay $0x1  }
0xe7: {  	s7 =	simm.s32 $0x13200;
	v3 =	vadd.s32 v1, v3  }
0xe8: {  	[tilespmem:s7], [sflag:$0x2] =	stream.indirect_vreg.gather [hbm4b:s2+s3], $0x80, v4, vm0, $0xb8;
	[tilespmem:$0x1C200] =	vst v63  }
0xe9: {  	s8 =	simm.s32 $0x13A00  }
0xea: {  	[tilespmem:s8], [sflag:$0x2] =	stream.indirect_vreg.gather [hbm4b:s5+s3], $0x80, v4, vm1, $0xb8;
	[tilespmem:$0x1C200] =	vst v63  }
0xeb: {  	s9 =	simm.s32 $0x13E00  }
0xec: {  	[tilespmem:s9], [sflag:$0x2] =	stream.indirect_vreg.gather [hbm4b:s2+s3], $0x80, v3, vm0, $0xb8;
	[tilespmem:$0x1C200] =	vst v63  }
0xed: {  	s10 =	simm.s32 $0x14600  }
0xee: {  	[tilespmem:s10], [sflag:$0x2] =	stream.indirect_vreg.gather [hbm4b:s5+s3], $0x80, v3, vm1, $0xb8;
	[tilespmem:$0x1C200] =	vst v63  }
0xef: {  	v3 =	vld [tilespmem:$0xD0];
	_ =	sdelay $0x4  }
0xf0: {  	v59 =	vshrl.u32 v3, $0x3  }
0xf1: {  	v4 =	vmul.u32 $0x18, v59  }
0xf2: {  	v3 =	vand.u32 $0x7, v3  }
0xf3: {  	v3 =	vor.u32 v3, v4  }
0xf4: {  	v4 =	vperm.xlane v3, v0;
	_ =	sdelay $0x1  }
0xf5: {  	v4 =	vadd.s32 v1, v4;
	_ =	sdelay $0x1  }
0xf6: {  	v3 =	vperm.xlane v3, v2;
	_ =	sdelay $0x1  }
0xf7: {  	s11 =	simm.s32 $0x14A00;
	v3 =	vadd.s32 v1, v3  }
0xf8: {  	[tilespmem:s11], [sflag:$0x2] =	stream.indirect_vreg.gather [hbm4b:s2+s3], $0x80, v4, vm0, $0xb8;
	[tilespmem:$0x1C200] =	vst v63  }
0xf9: {  	s12 =	simm.s32 $0x15200  }
0xfa: {  	[tilespmem:s12], [sflag:$0x2] =	stream.indirect_vreg.gather [hbm4b:s5+s3], $0x80, v4, vm1, $0xb8;
	[tilespmem:$0x1C200] =	vst v63  }
0xfb: {  	s13 =	simm.s32 $0x15600  }
0xfc: {  	[tilespmem:s13], [sflag:$0x2] =	stream.indirect_vreg.gather [hbm4b:s2+s3], $0x80, v3, vm0, $0xb8;
	[tilespmem:$0x1C200] =	vst v63  }
0xfd: {  	s14 =	simm.s32 $0x15E00  }
0xfe: {  	[tilespmem:s14], [sflag:$0x2] =	stream.indirect_vreg.gather [hbm4b:s5+s3], $0x80, v3, vm1, $0xb8;
	[tilespmem:$0x1C200] =	vst v63  }
0xff: {  	v3 =	vld [tilespmem:$0xE0];
	_ =	sdelay $0x4  }
0x100: {  	v60 =	vshrl.u32 v3, $0x3  }
0x101: {  	v4 =	vmul.u32 $0x18, v60  }
0x102: {  	v3 =	vand.u32 $0x7, v3  }
0x103: {  	v3 =	vor.u32 v3, v4  }
0x104: {  	v4 =	vperm.xlane v3, v0;
	_ =	sdelay $0x1  }
0x105: {  	v4 =	vadd.s32 v1, v4;
	_ =	sdelay $0x1  }
0x106: {  	v3 =	vperm.xlane v3, v2;
	_ =	sdelay $0x1  }
0x107: {  	s15 =	simm.s32 $0x16200;
	v3 =	vadd.s32 v1, v3  }
0x108: {  	[tilespmem:s15], [sflag:$0x2] =	stream.indirect_vreg.gather [hbm4b:s2+s3], $0x80, v4, vm0, $0xb8;
	[tilespmem:$0x1C200] =	vst v63  }
0x109: {  	s16 =	simm.s32 $0x16A00  }
0x10a: {  	[tilespmem:s16], [sflag:$0x2] =	stream.indirect_vreg.gather [hbm4b:s5+s3], $0x80, v4, vm1, $0xb8;
	[tilespmem:$0x1C200] =	vst v63  }
0x10b: {  	s17 =	simm.s32 $0x16E00  }
0x10c: {  	[tilespmem:s17], [sflag:$0x2] =	stream.indirect_vreg.gather [hbm4b:s2+s3], $0x80, v3, vm0, $0xb8;
	[tilespmem:$0x1C200] =	vst v63  }
0x10d: {  	s18 =	simm.s32 $0x17600  }
0x10e: {  	[tilespmem:s18], [sflag:$0x2] =	stream.indirect_vreg.gather [hbm4b:s5+s3], $0x80, v3, vm1, $0xb8;
	[tilespmem:$0x1C200] =	vst v63  }
0x10f: {  	v3 =	vld [tilespmem:$0xF0];
	_ =	sdelay $0x4  }
0x110: {  	v61 =	vshrl.u32 v3, $0x3  }
0x111: {  	v4 =	vmul.u32 $0x18, v61  }
0x112: {  	v3 =	vand.u32 $0x7, v3  }
0x113: {  	v3 =	vor.u32 v3, v4  }
0x114: {  	v4 =	vperm.xlane v3, v0;
	_ =	sdelay $0x1  }
0x115: {  	v4 =	vadd.s32 v1, v4;
	_ =	sdelay $0x1  }
0x116: {  	v3 =	vperm.xlane v3, v2;
	_ =	sdelay $0x1  }
0x117: {  	s19 =	simm.s32 $0x17A00;
	v3 =	vadd.s32 v1, v3  }
0x118: {  	[tilespmem:s19], [sflag:$0x2] =	stream.indirect_vreg.gather [hbm4b:s2+s3], $0x80, v4, vm0, $0xb8;
	[tilespmem:$0x1C200] =	vst v63  }
0x119: {  	s20 =	simm.s32 $0x18200  }
0x11a: {  	[tilespmem:s20], [sflag:$0x2] =	stream.indirect_vreg.gather [hbm4b:s5+s3], $0x80, v4, vm1, $0xb8;
	[tilespmem:$0x1C200] =	vst v63  }
0x11b: {  	s21 =	simm.s32 $0x18600  }
0x11c: {  	[tilespmem:s21], [sflag:$0x2] =	stream.indirect_vreg.gather [hbm4b:s2+s3], $0x80, v3, vm0, $0xb8;
	[tilespmem:$0x1C200] =	vst v63  }
0x11d: {  	s22 =	simm.s32 $0x18E00  }
0x11e: {  	[tilespmem:s22], [sflag:$0x2] =	stream.indirect_vreg.gather [hbm4b:s5+s3], $0x80, v3, vm1, $0xb8;
	[tilespmem:$0x1C200] =	vst v63  }
0x11f: {  	v3 =	vld [tilespmem:$0x100];
	_ =	sdelay $0x4  }
0x120: {  	v62 =	vshrl.u32 v3, $0x3  }
0x121: {  	v4 =	vmul.u32 $0x18, v62  }
0x122: {  	v3 =	vand.u32 $0x7, v3  }
0x123: {  	v3 =	vor.u32 v3, v4  }
0x124: {  	v4 =	vperm.xlane v3, v0;
	_ =	sdelay $0x1  }
0x125: {  	v4 =	vadd.s32 v1, v4;
	_ =	sdelay $0x1  }
0x126: {  	v3 =	vperm.xlane v3, v2;
	_ =	sdelay $0x1  }
0x127: {  	s23 =	simm.s32 $0x19200;
	v3 =	vadd.s32 v1, v3  }
0x128: {  	[tilespmem:s23], [sflag:$0x2] =	stream.indirect_vreg.gather [hbm4b:s2+s3], $0x80, v4, vm0, $0xb8;
	[tilespmem:$0x1C200] =	vst v63  }
0x129: {  	s24 =	simm.s32 $0x19A00  }
0x12a: {  	[tilespmem:s24], [sflag:$0x2] =	stream.indirect_vreg.gather [hbm4b:s5+s3], $0x80, v4, vm1, $0xb8;
	[tilespmem:$0x1C200] =	vst v63  }
0x12b: {  	s25 =	simm.s32 $0x19E00  }
0x12c: {  	[tilespmem:s25], [sflag:$0x2] =	stream.indirect_vreg.gather [hbm4b:s2+s3], $0x80, v3, vm0, $0xb8;
	[tilespmem:$0x1C200] =	vst v63  }
0x12d: {  	s26 =	simm.s32 $0x1A600  }
0x12e: {  	[tilespmem:s26], [sflag:$0x2] =	stream.indirect_vreg.gather [hbm4b:s5+s3], $0x80, v3, vm1, $0xb8;
	[tilespmem:$0x1C200] =	vst v63  }
0x12f: {  	v3 =	vld [tilespmem:$0x110];
	_ =	sdelay $0x4  }
0x130: {  	v63 =	vshrl.u32 v3, $0x3  }
0x131: {  	v4 =	vmul.u32 $0x18, v63  }
0x132: {  	v3 =	vand.u32 $0x7, v3  }
0x133: {  	v3 =	vor.u32 v3, v4  }
0x134: {  	v4 =	vperm.xlane v3, v0;
	_ =	sdelay $0x1  }
0x135: {  	v4 =	vadd.s32 v1, v4  }
0x136: {  	s4 =	simm.s32 $0x230;
	s28 =	simm.s32 $0x8600  }
0x137: {  	s29 =	simm.s32 $0x8A00;
	s6 =	simm.s32 $0x0;
	s8 =	simm.s32 $0x1E00;
	v3 =	vperm.xlane v3, v2  }
0x138: {  	s10 =	simm.s32 $0x9600;
	s11 =	simm.s32 $0x2A00;
	s13 =	simm.s32 $0x3600  }
0x139: {  	s14 =	simm.s32 $0x1AA00;
	s15 =	simm.s32 $0x4200;
	s16 =	simm.s32 $0x1B200;
	v3 =	vadd.s32 v1, v3  }
0x13a: {  	[tilespmem:s14], [sflag:$0x2] =	stream.indirect_vreg.gather [hbm4b:s2+s3], $0x80, v4, vm0, $0xb8;
	[tilespmem:$0x1C200] =	vst v63  }
0x13b: {  	s17 =	simm.s32 $0x4E00;
	s18 =	simm.s32 $0x1B600;
	s20 =	simm.s32 $0x5A00  }
0x13c: {  	[tilespmem:s16], [sflag:$0x2] =	stream.indirect_vreg.gather [hbm4b:s5+s3], $0x80, v4, vm1, $0xb8;
	[tilespmem:$0x1C200] =	vst v63  }
0x13d: {  	s21 =	simm.s32 $0x1BE00;
	s22 =	simm.s32 $0x6600;
	s23 =	simm.s32 $0x6E00  }
0x13e: {  	[tilespmem:s18], [sflag:$0x2] =	stream.indirect_vreg.gather [hbm4b:s2+s3], $0x80, v3, vm0, $0xb8;
	[tilespmem:$0x1C200] =	vst v63  }
0x13f: {  	s24 =	simm.s32 $0x7200;
	s25 =	simm.s32 $0x7A00;
	s26 =	simm.s32 $0x7E00  }
0x140: {  	[tilespmem:s21], [sflag:$0x2] =	stream.indirect_vreg.gather [hbm4b:s5+s3], $0x80, v3, vm1, $0xb8;
	[tilespmem:$0x1C200] =	vst v63  }
.LBB2_2:
0x141: {  	_ =	swait.ge [sflag:s30], $0xD800  }
0x142: {  	s7 =	rddreg [dreg:$0x3];
	[sflag:s30] =	ssyncset.done $0x0  }
0x143: {  	s9 =	simm.s32 $0x1200;
	[sflag:s30] =	ssyncadd.s32 $0xFFFF2800;
	s7 =	sadd.s32 s6, s7  }
0x144: {  	[hbm4b:s7+s3] =	stream.linear.scatter [tilespmem:s9], [sflag:$0x3], $0xD800, $0x38;
	[tilespmem:$0x1C200] =	vst v63  }
0x145: {  	_ =	swait.ge [sflag:s31], $0xD800  }
0x146: {  	s19 =	rddreg [dreg:$0x4];
	[sflag:s31] =	ssyncset.done $0x0  }
0x147: {  	s12 =	simm.s32 $0xEA00;
	[sflag:s31] =	ssyncadd.s32 $0xFFFF2800;
	s7 =	sadd.s32 s6, s19  }
0x148: {  	[hbm4b:s7+s3] =	stream.linear.scatter [tilespmem:s12], [sflag:$0x4], $0xD800, $0x38;
	[tilespmem:$0x1C200] =	vst v63  }
0x149: {  	_ =	swait.ge [sflag:s1], $0xD800  }
0x14a: {  	[sflag:s1] =	ssyncset.done $0x0  }
0x14b: {  	[sflag:s1] =	ssyncadd.s32 $0xFFFF2800  }
0x14c: {  	v3 =	vld [tilespmem:s4+$0xFFFFFEF0];
	_ =	sdelay $0x4  }
0x14d: {  	v4 =	vshrl.u32 v3, $0x3  }
0x14e: {  	v4 =	vmul.u32 $0x18, v4  }
0x14f: {  	v3 =	vand.u32 $0x7, v3  }
0x150: {  	v3 =	vor.u32 v3, v4  }
0x151: {  	v4 =	vperm.xlane v3, v0;
	_ =	sdelay $0x1  }
0x152: {  	v4 =	vadd.s32 v1, v4;
	_ =	sdelay $0x1  }
0x153: {  	v3 =	vperm.xlane v3, v2;
	_ =	sdelay $0x1  }
0x154: {  	v3 =	vadd.s32 v1, v3  }
0x155: {  	[tilespmem:s9], [sflag:$0x1] =	stream.indirect_vreg.gather [hbm4b:s2+s3], $0x80, v4, vm0, $0xb8;
	[tilespmem:$0x1C200] =	vst v63  }
0x156: {  	s7 =	simm.s32 $0x1A00  }
0x157: {  	[tilespmem:s7], [sflag:$0x1] =	stream.indirect_vreg.gather [hbm4b:s5+s3], $0x80, v4, vm1, $0xb8;
	[tilespmem:$0x1C200] =	vst v63  }
0x158: {  	_ = 	snop  }
0x159: {  	[tilespmem:s8], [sflag:$0x1] =	stream.indirect_vreg.gather [hbm4b:s2+s3], $0x80, v3, vm0, $0xb8;
	[tilespmem:$0x1C200] =	vst v63  }
0x15a: {  	s9 =	simm.s32 $0x2600  }
0x15b: {  	[tilespmem:s9], [sflag:$0x1] =	stream.indirect_vreg.gather [hbm4b:s5+s3], $0x80, v3, vm1, $0xb8;
	[tilespmem:$0x1C200] =	vst v63  }
0x15c: {  	v3 =	vld [tilespmem:s4+$0xFFFFFF00];
	_ =	sdelay $0x4  }
0x15d: {  	v47 =	vshrl.u32 v3, $0x3  }
0x15e: {  	v4 =	vmul.u32 $0x18, v47  }
0x15f: {  	v3 =	vand.u32 $0x7, v3  }
0x160: {  	v3 =	vor.u32 v3, v4  }
0x161: {  	v4 =	vperm.xlane v3, v0;
	_ =	sdelay $0x1  }
0x162: {  	v4 =	vadd.s32 v1, v4;
	_ =	sdelay $0x1  }
0x163: {  	v3 =	vperm.xlane v3, v2;
	_ =	sdelay $0x1  }
0x164: {  	v3 =	vadd.s32 v1, v3  }
0x165: {  	[tilespmem:s11], [sflag:$0x1] =	stream.indirect_vreg.gather [hbm4b:s2+s3], $0x80, v4, vm0, $0xb8;
	[tilespmem:$0x1C200] =	vst v63  }
0x166: {  	s9 =	simm.s32 $0x3200  }
0x167: {  	[tilespmem:s9], [sflag:$0x1] =	stream.indirect_vreg.gather [hbm4b:s5+s3], $0x80, v4, vm1, $0xb8;
	[tilespmem:$0x1C200] =	vst v63  }
0x168: {  	_ = 	snop  }
0x169: {  	[tilespmem:s13], [sflag:$0x1] =	stream.indirect_vreg.gather [hbm4b:s2+s3], $0x80, v3, vm0, $0xb8;
	[tilespmem:$0x1C200] =	vst v63  }
0x16a: {  	s9 =	simm.s32 $0x3E00  }
0x16b: {  	[tilespmem:s9], [sflag:$0x1] =	stream.indirect_vreg.gather [hbm4b:s5+s3], $0x80, v3, vm1, $0xb8;
	[tilespmem:$0x1C200] =	vst v63  }
0x16c: {  	v3 =	vld [tilespmem:s4+$0xFFFFFF10];
	_ =	sdelay $0x4  }
0x16d: {  	v48 =	vshrl.u32 v3, $0x3  }
0x16e: {  	v4 =	vmul.u32 $0x18, v48  }
0x16f: {  	v3 =	vand.u32 $0x7, v3  }
0x170: {  	v3 =	vor.u32 v3, v4  }
0x171: {  	v4 =	vperm.xlane v3, v0;
	_ =	sdelay $0x1  }
0x172: {  	v4 =	vadd.s32 v1, v4;
	_ =	sdelay $0x1  }
0x173: {  	v3 =	vperm.xlane v3, v2;
	_ =	sdelay $0x1  }
0x174: {  	v3 =	vadd.s32 v1, v3  }
0x175: {  	[tilespmem:s15], [sflag:$0x1] =	stream.indirect_vreg.gather [hbm4b:s2+s3], $0x80, v4, vm0, $0xb8;
	[tilespmem:$0x1C200] =	vst v63  }
0x176: {  	s9 =	simm.s32 $0x4A00  }
0x177: {  	[tilespmem:s9], [sflag:$0x1] =	stream.indirect_vreg.gather [hbm4b:s5+s3], $0x80, v4, vm1, $0xb8;
	[tilespmem:$0x1C200] =	vst v63  }
0x178: {  	_ = 	snop  }
0x179: {  	[tilespmem:s17], [sflag:$0x1] =	stream.indirect_vreg.gather [hbm4b:s2+s3], $0x80, v3, vm0, $0xb8;
	[tilespmem:$0x1C200] =	vst v63  }
0x17a: {  	s9 =	simm.s32 $0x5600  }
0x17b: {  	[tilespmem:s9], [sflag:$0x1] =	stream.indirect_vreg.gather [hbm4b:s5+s3], $0x80, v3, vm1, $0xb8;
	[tilespmem:$0x1C200] =	vst v63  }
0x17c: {  	v3 =	vld [tilespmem:s4+$0xFFFFFF20];
	_ =	sdelay $0x4  }
0x17d: {  	v49 =	vshrl.u32 v3, $0x3  }
0x17e: {  	v4 =	vmul.u32 $0x18, v49  }
0x17f: {  	v3 =	vand.u32 $0x7, v3  }
0x180: {  	v3 =	vor.u32 v3, v4  }
0x181: {  	v4 =	vperm.xlane v3, v0;
	_ =	sdelay $0x1  }
0x182: {  	v4 =	vadd.s32 v1, v4;
	_ =	sdelay $0x1  }
0x183: {  	v3 =	vperm.xlane v3, v2;
	_ =	sdelay $0x1  }
0x184: {  	v3 =	vadd.s32 v1, v3  }
0x185: {  	[tilespmem:s20], [sflag:$0x1] =	stream.indirect_vreg.gather [hbm4b:s2+s3], $0x80, v4, vm0, $0xb8;
	[tilespmem:$0x1C200] =	vst v63  }
0x186: {  	s9 =	simm.s32 $0x6200  }
0x187: {  	[tilespmem:s9], [sflag:$0x1] =	stream.indirect_vreg.gather [hbm4b:s5+s3], $0x80, v4, vm1, $0xb8;
	[tilespmem:$0x1C200] =	vst v63  }
0x188: {  	_ = 	snop  }
0x189: {  	[tilespmem:s22], [sflag:$0x1] =	stream.indirect_vreg.gather [hbm4b:s2+s3], $0x80, v3, vm0, $0xb8;
	[tilespmem:$0x1C200] =	vst v63  }
0x18a: {  	_ = 	snop  }
0x18b: {  	[tilespmem:s23], [sflag:$0x1] =	stream.indirect_vreg.gather [hbm4b:s5+s3], $0x80, v3, vm1, $0xb8;
	[tilespmem:$0x1C200] =	vst v63  }
0x18c: {  	v3 =	vld [tilespmem:s4+$0xFFFFFF30];
	_ =	sdelay $0x4  }
0x18d: {  	v50 =	vshrl.u32 v3, $0x3  }
0x18e: {  	v4 =	vmul.u32 $0x18, v50  }
0x18f: {  	v3 =	vand.u32 $0x7, v3  }
0x190: {  	v3 =	vor.u32 v3, v4  }
0x191: {  	v4 =	vperm.xlane v3, v0;
	_ =	sdelay $0x1  }
0x192: {  	v4 =	vadd.s32 v1, v4;
	_ =	sdelay $0x1  }
0x193: {  	v3 =	vperm.xlane v3, v2;
	_ =	sdelay $0x1  }
0x194: {  	v3 =	vadd.s32 v1, v3  }
0x195: {  	[tilespmem:s24], [sflag:$0x1] =	stream.indirect_vreg.gather [hbm4b:s2+s3], $0x80, v4, vm0, $0xb8;
	[tilespmem:$0x1C200] =	vst v63  }
0x196: {  	_ = 	snop  }
0x197: {  	[tilespmem:s25], [sflag:$0x1] =	stream.indirect_vreg.gather [hbm4b:s5+s3], $0x80, v4, vm1, $0xb8;
	[tilespmem:$0x1C200] =	vst v63  }
0x198: {  	_ = 	snop  }
0x199: {  	[tilespmem:s26], [sflag:$0x1] =	stream.indirect_vreg.gather [hbm4b:s2+s3], $0x80, v3, vm0, $0xb8;
	[tilespmem:$0x1C200] =	vst v63  }
0x19a: {  	_ = 	snop  }
0x19b: {  	[tilespmem:s28], [sflag:$0x1] =	stream.indirect_vreg.gather [hbm4b:s5+s3], $0x80, v3, vm1, $0xb8;
	[tilespmem:$0x1C200] =	vst v63  }
0x19c: {  	v3 =	vld [tilespmem:s4+$0xFFFFFF40];
	_ =	sdelay $0x4  }
0x19d: {  	v51 =	vshrl.u32 v3, $0x3  }
0x19e: {  	v4 =	vmul.u32 $0x18, v51  }
0x19f: {  	v3 =	vand.u32 $0x7, v3  }
0x1a0: {  	v3 =	vor.u32 v3, v4  }
0x1a1: {  	v4 =	vperm.xlane v3, v0;
	_ =	sdelay $0x1  }
0x1a2: {  	v4 =	vadd.s32 v1, v4;
	_ =	sdelay $0x1  }
0x1a3: {  	v3 =	vperm.xlane v3, v2;
	_ =	sdelay $0x1  }
0x1a4: {  	v3 =	vadd.s32 v1, v3  }
0x1a5: {  	[tilespmem:s29], [sflag:$0x1] =	stream.indirect_vreg.gather [hbm4b:s2+s3], $0x80, v4, vm0, $0xb8;
	[tilespmem:$0x1C200] =	vst v63  }
0x1a6: {  	s9 =	simm.s32 $0x9200  }
0x1a7: {  	[tilespmem:s9], [sflag:$0x1] =	stream.indirect_vreg.gather [hbm4b:s5+s3], $0x80, v4, vm1, $0xb8;
	[tilespmem:$0x1C200] =	vst v63  }
0x1a8: {  	_ = 	snop  }
0x1a9: {  	[tilespmem:s10], [sflag:$0x1] =	stream.indirect_vreg.gather [hbm4b:s2+s3], $0x80, v3, vm0, $0xb8;
	[tilespmem:$0x1C200] =	vst v63  }
0x1aa: {  	s9 =	simm.s32 $0x9E00  }
0x1ab: {  	[tilespmem:s9], [sflag:$0x1] =	stream.indirect_vreg.gather [hbm4b:s5+s3], $0x80, v3, vm1, $0xb8;
	[tilespmem:$0x1C200] =	vst v63  }
0x1ac: {  	v3 =	vld [tilespmem:s4+$0xFFFFFF50];
	_ =	sdelay $0x4  }
0x1ad: {  	v52 =	vshrl.u32 v3, $0x3  }
0x1ae: {  	v4 =	vmul.u32 $0x18, v52  }
0x1af: {  	v3 =	vand.u32 $0x7, v3  }
0x1b0: {  	v3 =	vor.u32 v3, v4  }
0x1b1: {  	v4 =	vperm.xlane v3, v0;
	_ =	sdelay $0x1  }
0x1b2: {  	v4 =	vadd.s32 v1, v4;
	_ =	sdelay $0x1  }
0x1b3: {  	v3 =	vperm.xlane v3, v2;
	_ =	sdelay $0x1  }
0x1b4: {  	s9 =	simm.s32 $0xA200;
	v3 =	vadd.s32 v1, v3  }
0x1b5: {  	[tilespmem:s9], [sflag:$0x1] =	stream.indirect_vreg.gather [hbm4b:s2+s3], $0x80, v4, vm0, $0xb8;
	[tilespmem:$0x1C200] =	vst v63  }
0x1b6: {  	s9 =	simm.s32 $0xAA00  }
0x1b7: {  	[tilespmem:s9], [sflag:$0x1] =	stream.indirect_vreg.gather [hbm4b:s5+s3], $0x80, v4, vm1, $0xb8;
	[tilespmem:$0x1C200] =	vst v63  }
0x1b8: {  	s9 =	simm.s32 $0xAE00  }
0x1b9: {  	[tilespmem:s9], [sflag:$0x1] =	stream.indirect_vreg.gather [hbm4b:s2+s3], $0x80, v3, vm0, $0xb8;
	[tilespmem:$0x1C200] =	vst v63  }
0x1ba: {  	s9 =	simm.s32 $0xB600  }
0x1bb: {  	[tilespmem:s9], [sflag:$0x1] =	stream.indirect_vreg.gather [hbm4b:s5+s3], $0x80, v3, vm1, $0xb8;
	[tilespmem:$0x1C200] =	vst v63  }
0x1bc: {  	v3 =	vld [tilespmem:s4+$0xFFFFFF60];
	_ =	sdelay $0x4  }
0x1bd: {  	v53 =	vshrl.u32 v3, $0x3  }
0x1be: {  	v4 =	vmul.u32 $0x18, v53  }
0x1bf: {  	v3 =	vand.u32 $0x7, v3  }
0x1c0: {  	v3 =	vor.u32 v3, v4  }
0x1c1: {  	v4 =	vperm.xlane v3, v0;
	_ =	sdelay $0x1  }
0x1c2: {  	v4 =	vadd.s32 v1, v4;
	_ =	sdelay $0x1  }
0x1c3: {  	v3 =	vperm.xlane v3, v2;
	_ =	sdelay $0x1  }
0x1c4: {  	s9 =	simm.s32 $0xBA00;
	v3 =	vadd.s32 v1, v3  }
0x1c5: {  	[tilespmem:s9], [sflag:$0x1] =	stream.indirect_vreg.gather [hbm4b:s2+s3], $0x80, v4, vm0, $0xb8;
	[tilespmem:$0x1C200] =	vst v63  }
0x1c6: {  	s9 =	simm.s32 $0xC200  }
0x1c7: {  	[tilespmem:s9], [sflag:$0x1] =	stream.indirect_vreg.gather [hbm4b:s5+s3], $0x80, v4, vm1, $0xb8;
	[tilespmem:$0x1C200] =	vst v63  }
0x1c8: {  	s9 =	simm.s32 $0xC600  }
0x1c9: {  	[tilespmem:s9], [sflag:$0x1] =	stream.indirect_vreg.gather [hbm4b:s2+s3], $0x80, v3, vm0, $0xb8;
	[tilespmem:$0x1C200] =	vst v63  }
0x1ca: {  	s9 =	simm.s32 $0xCE00  }
0x1cb: {  	[tilespmem:s9], [sflag:$0x1] =	stream.indirect_vreg.gather [hbm4b:s5+s3], $0x80, v3, vm1, $0xb8;
	[tilespmem:$0x1C200] =	vst v63  }
0x1cc: {  	v3 =	vld [tilespmem:s4+$0xFFFFFF70];
	_ =	sdelay $0x4  }
0x1cd: {  	v54 =	vshrl.u32 v3, $0x3  }
0x1ce: {  	v4 =	vmul.u32 $0x18, v54  }
0x1cf: {  	v3 =	vand.u32 $0x7, v3  }
0x1d0: {  	v3 =	vor.u32 v3, v4  }
0x1d1: {  	v4 =	vperm.xlane v3, v0;
	_ =	sdelay $0x1  }
0x1d2: {  	v4 =	vadd.s32 v1, v4;
	_ =	sdelay $0x1  }
0x1d3: {  	v3 =	vperm.xlane v3, v2;
	_ =	sdelay $0x1  }
0x1d4: {  	s9 =	simm.s32 $0xD200;
	v3 =	vadd.s32 v1, v3  }
0x1d5: {  	[tilespmem:s9], [sflag:$0x1] =	stream.indirect_vreg.gather [hbm4b:s2+s3], $0x80, v4, vm0, $0xb8;
	[tilespmem:$0x1C200] =	vst v63  }
0x1d6: {  	s9 =	simm.s32 $0xDA00  }
0x1d7: {  	[tilespmem:s9], [sflag:$0x1] =	stream.indirect_vreg.gather [hbm4b:s5+s3], $0x80, v4, vm1, $0xb8;
	[tilespmem:$0x1C200] =	vst v63  }
0x1d8: {  	s9 =	simm.s32 $0xDE00  }
0x1d9: {  	[tilespmem:s9], [sflag:$0x1] =	stream.indirect_vreg.gather [hbm4b:s2+s3], $0x80, v3, vm0, $0xb8;
	[tilespmem:$0x1C200] =	vst v63  }
0x1da: {  	s9 =	simm.s32 $0xE600  }
0x1db: {  	[tilespmem:s9], [sflag:$0x1] =	stream.indirect_vreg.gather [hbm4b:s5+s3], $0x80, v3, vm1, $0xb8;
	[tilespmem:$0x1C200] =	vst v63  }
0x1dc: {  	_ =	swait.ge [sflag:s0], $0xD800  }
0x1dd: {  	[sflag:s0] =	ssyncset.done $0x0  }
0x1de: {  	[sflag:s0] =	ssyncadd.s32 $0xFFFF2800  }
0x1df: {  	v3 =	vld [tilespmem:s4+$0xFFFFFF80];
	_ =	sdelay $0x4  }
0x1e0: {  	v55 =	vshrl.u32 v3, $0x3  }
0x1e1: {  	v4 =	vmul.u32 $0x18, v55  }
0x1e2: {  	v3 =	vand.u32 $0x7, v3  }
0x1e3: {  	v3 =	vor.u32 v3, v4  }
0x1e4: {  	v4 =	vperm.xlane v3, v0;
	_ =	sdelay $0x1  }
0x1e5: {  	v4 =	vadd.s32 v1, v4;
	_ =	sdelay $0x1  }
0x1e6: {  	v3 =	vperm.xlane v3, v2;
	_ =	sdelay $0x1  }
0x1e7: {  	v3 =	vadd.s32 v1, v3  }
0x1e8: {  	[tilespmem:s12], [sflag:$0x2] =	stream.indirect_vreg.gather [hbm4b:s2+s3], $0x80, v4, vm0, $0xb8;
	[tilespmem:$0x1C200] =	vst v63  }
0x1e9: {  	s12 =	simm.s32 $0xF200  }
0x1ea: {  	[tilespmem:s12], [sflag:$0x2] =	stream.indirect_vreg.gather [hbm4b:s5+s3], $0x80, v4, vm1, $0xb8;
	[tilespmem:$0x1C200] =	vst v63  }
0x1eb: {  	s12 =	simm.s32 $0xF600  }
0x1ec: {  	[tilespmem:s12], [sflag:$0x2] =	stream.indirect_vreg.gather [hbm4b:s2+s3], $0x80, v3, vm0, $0xb8;
	[tilespmem:$0x1C200] =	vst v63  }
0x1ed: {  	s12 =	simm.s32 $0xFE00  }
0x1ee: {  	[tilespmem:s12], [sflag:$0x2] =	stream.indirect_vreg.gather [hbm4b:s5+s3], $0x80, v3, vm1, $0xb8;
	[tilespmem:$0x1C200] =	vst v63  }
0x1ef: {  	v3 =	vld [tilespmem:s4+$0xFFFFFF90];
	_ =	sdelay $0x4  }
0x1f0: {  	v56 =	vshrl.u32 v3, $0x3  }
0x1f1: {  	v4 =	vmul.u32 $0x18, v56  }
0x1f2: {  	v3 =	vand.u32 $0x7, v3  }
0x1f3: {  	v3 =	vor.u32 v3, v4  }
0x1f4: {  	v4 =	vperm.xlane v3, v0;
	_ =	sdelay $0x1  }
0x1f5: {  	v4 =	vadd.s32 v1, v4;
	_ =	sdelay $0x1  }
0x1f6: {  	v3 =	vperm.xlane v3, v2;
	_ =	sdelay $0x1  }
0x1f7: {  	s12 =	simm.s32 $0x10200;
	v3 =	vadd.s32 v1, v3  }
0x1f8: {  	[tilespmem:s12], [sflag:$0x2] =	stream.indirect_vreg.gather [hbm4b:s2+s3], $0x80, v4, vm0, $0xb8;
	[tilespmem:$0x1C200] =	vst v63  }
0x1f9: {  	s12 =	simm.s32 $0x10A00  }
0x1fa: {  	[tilespmem:s12], [sflag:$0x2] =	stream.indirect_vreg.gather [hbm4b:s5+s3], $0x80, v4, vm1, $0xb8;
	[tilespmem:$0x1C200] =	vst v63  }
0x1fb: {  	s12 =	simm.s32 $0x10E00  }
0x1fc: {  	[tilespmem:s12], [sflag:$0x2] =	stream.indirect_vreg.gather [hbm4b:s2+s3], $0x80, v3, vm0, $0xb8;
	[tilespmem:$0x1C200] =	vst v63  }
0x1fd: {  	s12 =	simm.s32 $0x11600  }
0x1fe: {  	[tilespmem:s12], [sflag:$0x2] =	stream.indirect_vreg.gather [hbm4b:s5+s3], $0x80, v3, vm1, $0xb8;
	[tilespmem:$0x1C200] =	vst v63  }
0x1ff: {  	v3 =	vld [tilespmem:s4+$0xFFFFFFA0];
	_ =	sdelay $0x4  }
0x200: {  	v57 =	vshrl.u32 v3, $0x3  }
0x201: {  	v4 =	vmul.u32 $0x18, v57  }
0x202: {  	v3 =	vand.u32 $0x7, v3  }
0x203: {  	v3 =	vor.u32 v3, v4  }
0x204: {  	v4 =	vperm.xlane v3, v0;
	_ =	sdelay $0x1  }
0x205: {  	v4 =	vadd.s32 v1, v4;
	_ =	sdelay $0x1  }
0x206: {  	v3 =	vperm.xlane v3, v2;
	_ =	sdelay $0x1  }
0x207: {  	s12 =	simm.s32 $0x11A00;
	v3 =	vadd.s32 v1, v3  }
0x208: {  	[tilespmem:s12], [sflag:$0x2] =	stream.indirect_vreg.gather [hbm4b:s2+s3], $0x80, v4, vm0, $0xb8;
	[tilespmem:$0x1C200] =	vst v63  }
0x209: {  	s12 =	simm.s32 $0x12200  }
0x20a: {  	[tilespmem:s12], [sflag:$0x2] =	stream.indirect_vreg.gather [hbm4b:s5+s3], $0x80, v4, vm1, $0xb8;
	[tilespmem:$0x1C200] =	vst v63  }
0x20b: {  	s12 =	simm.s32 $0x12600  }
0x20c: {  	[tilespmem:s12], [sflag:$0x2] =	stream.indirect_vreg.gather [hbm4b:s2+s3], $0x80, v3, vm0, $0xb8;
	[tilespmem:$0x1C200] =	vst v63  }
0x20d: {  	s12 =	simm.s32 $0x12E00  }
0x20e: {  	[tilespmem:s12], [sflag:$0x2] =	stream.indirect_vreg.gather [hbm4b:s5+s3], $0x80, v3, vm1, $0xb8;
	[tilespmem:$0x1C200] =	vst v63  }
0x20f: {  	v3 =	vld [tilespmem:s4+$0xFFFFFFB0];
	_ =	sdelay $0x4  }
0x210: {  	v58 =	vshrl.u32 v3, $0x3  }
0x211: {  	v4 =	vmul.u32 $0x18, v58  }
0x212: {  	v3 =	vand.u32 $0x7, v3  }
0x213: {  	v3 =	vor.u32 v3, v4  }
0x214: {  	v4 =	vperm.xlane v3, v0;
	_ =	sdelay $0x1  }
0x215: {  	v4 =	vadd.s32 v1, v4;
	_ =	sdelay $0x1  }
0x216: {  	v3 =	vperm.xlane v3, v2;
	_ =	sdelay $0x1  }
0x217: {  	s12 =	simm.s32 $0x13200;
	v3 =	vadd.s32 v1, v3  }
0x218: {  	[tilespmem:s12], [sflag:$0x2] =	stream.indirect_vreg.gather [hbm4b:s2+s3], $0x80, v4, vm0, $0xb8;
	[tilespmem:$0x1C200] =	vst v63  }
0x219: {  	s12 =	simm.s32 $0x13A00  }
0x21a: {  	[tilespmem:s12], [sflag:$0x2] =	stream.indirect_vreg.gather [hbm4b:s5+s3], $0x80, v4, vm1, $0xb8;
	[tilespmem:$0x1C200] =	vst v63  }
0x21b: {  	s12 =	simm.s32 $0x13E00  }
0x21c: {  	[tilespmem:s12], [sflag:$0x2] =	stream.indirect_vreg.gather [hbm4b:s2+s3], $0x80, v3, vm0, $0xb8;
	[tilespmem:$0x1C200] =	vst v63  }
0x21d: {  	s12 =	simm.s32 $0x14600  }
0x21e: {  	[tilespmem:s12], [sflag:$0x2] =	stream.indirect_vreg.gather [hbm4b:s5+s3], $0x80, v3, vm1, $0xb8;
	[tilespmem:$0x1C200] =	vst v63  }
0x21f: {  	v3 =	vld [tilespmem:s4+$0xFFFFFFC0];
	_ =	sdelay $0x4  }
0x220: {  	v59 =	vshrl.u32 v3, $0x3  }
0x221: {  	v4 =	vmul.u32 $0x18, v59  }
0x222: {  	v3 =	vand.u32 $0x7, v3  }
0x223: {  	v3 =	vor.u32 v3, v4  }
0x224: {  	v4 =	vperm.xlane v3, v0;
	_ =	sdelay $0x1  }
0x225: {  	v4 =	vadd.s32 v1, v4;
	_ =	sdelay $0x1  }
0x226: {  	v3 =	vperm.xlane v3, v2;
	_ =	sdelay $0x1  }
0x227: {  	s12 =	simm.s32 $0x14A00;
	v3 =	vadd.s32 v1, v3  }
0x228: {  	[tilespmem:s12], [sflag:$0x2] =	stream.indirect_vreg.gather [hbm4b:s2+s3], $0x80, v4, vm0, $0xb8;
	[tilespmem:$0x1C200] =	vst v63  }
0x229: {  	s12 =	simm.s32 $0x15200  }
0x22a: {  	[tilespmem:s12], [sflag:$0x2] =	stream.indirect_vreg.gather [hbm4b:s5+s3], $0x80, v4, vm1, $0xb8;
	[tilespmem:$0x1C200] =	vst v63  }
0x22b: {  	s12 =	simm.s32 $0x15600  }
0x22c: {  	[tilespmem:s12], [sflag:$0x2] =	stream.indirect_vreg.gather [hbm4b:s2+s3], $0x80, v3, vm0, $0xb8;
	[tilespmem:$0x1C200] =	vst v63  }
0x22d: {  	s12 =	simm.s32 $0x15E00  }
0x22e: {  	[tilespmem:s12], [sflag:$0x2] =	stream.indirect_vreg.gather [hbm4b:s5+s3], $0x80, v3, vm1, $0xb8;
	[tilespmem:$0x1C200] =	vst v63  }
0x22f: {  	v3 =	vld [tilespmem:s4+$0xFFFFFFD0];
	_ =	sdelay $0x4  }
0x230: {  	v60 =	vshrl.u32 v3, $0x3  }
0x231: {  	v4 =	vmul.u32 $0x18, v60  }
0x232: {  	v3 =	vand.u32 $0x7, v3  }
0x233: {  	v3 =	vor.u32 v3, v4  }
0x234: {  	v4 =	vperm.xlane v3, v0;
	_ =	sdelay $0x1  }
0x235: {  	v4 =	vadd.s32 v1, v4;
	_ =	sdelay $0x1  }
0x236: {  	v3 =	vperm.xlane v3, v2;
	_ =	sdelay $0x1  }
0x237: {  	s12 =	simm.s32 $0x16200;
	v3 =	vadd.s32 v1, v3  }
0x238: {  	[tilespmem:s12], [sflag:$0x2] =	stream.indirect_vreg.gather [hbm4b:s2+s3], $0x80, v4, vm0, $0xb8;
	[tilespmem:$0x1C200] =	vst v63  }
0x239: {  	s12 =	simm.s32 $0x16A00  }
0x23a: {  	[tilespmem:s12], [sflag:$0x2] =	stream.indirect_vreg.gather [hbm4b:s5+s3], $0x80, v4, vm1, $0xb8;
	[tilespmem:$0x1C200] =	vst v63  }
0x23b: {  	s12 =	simm.s32 $0x16E00  }
0x23c: {  	[tilespmem:s12], [sflag:$0x2] =	stream.indirect_vreg.gather [hbm4b:s2+s3], $0x80, v3, vm0, $0xb8;
	[tilespmem:$0x1C200] =	vst v63  }
0x23d: {  	s12 =	simm.s32 $0x17600  }
0x23e: {  	[tilespmem:s12], [sflag:$0x2] =	stream.indirect_vreg.gather [hbm4b:s5+s3], $0x80, v3, vm1, $0xb8;
	[tilespmem:$0x1C200] =	vst v63  }
0x23f: {  	v3 =	vld [tilespmem:s4+$0xFFFFFFE0];
	_ =	sdelay $0x4  }
0x240: {  	v61 =	vshrl.u32 v3, $0x3  }
0x241: {  	v4 =	vmul.u32 $0x18, v61  }
0x242: {  	v3 =	vand.u32 $0x7, v3  }
0x243: {  	v3 =	vor.u32 v3, v4  }
0x244: {  	v4 =	vperm.xlane v3, v0;
	_ =	sdelay $0x1  }
0x245: {  	v4 =	vadd.s32 v1, v4;
	_ =	sdelay $0x1  }
0x246: {  	v3 =	vperm.xlane v3, v2;
	_ =	sdelay $0x1  }
0x247: {  	s12 =	simm.s32 $0x17A00;
	v3 =	vadd.s32 v1, v3  }
0x248: {  	[tilespmem:s12], [sflag:$0x2] =	stream.indirect_vreg.gather [hbm4b:s2+s3], $0x80, v4, vm0, $0xb8;
	[tilespmem:$0x1C200] =	vst v63  }
0x249: {  	s12 =	simm.s32 $0x18200  }
0x24a: {  	[tilespmem:s12], [sflag:$0x2] =	stream.indirect_vreg.gather [hbm4b:s5+s3], $0x80, v4, vm1, $0xb8;
	[tilespmem:$0x1C200] =	vst v63  }
0x24b: {  	s12 =	simm.s32 $0x18600  }
0x24c: {  	[tilespmem:s12], [sflag:$0x2] =	stream.indirect_vreg.gather [hbm4b:s2+s3], $0x80, v3, vm0, $0xb8;
	[tilespmem:$0x1C200] =	vst v63  }
0x24d: {  	s12 =	simm.s32 $0x18E00  }
0x24e: {  	[tilespmem:s12], [sflag:$0x2] =	stream.indirect_vreg.gather [hbm4b:s5+s3], $0x80, v3, vm1, $0xb8;
	[tilespmem:$0x1C200] =	vst v63  }
0x24f: {  	v3 =	vld [tilespmem:s4+$0xFFFFFFF0];
	_ =	sdelay $0x4  }
0x250: {  	v62 =	vshrl.u32 v3, $0x3  }
0x251: {  	v4 =	vmul.u32 $0x18, v62  }
0x252: {  	v3 =	vand.u32 $0x7, v3  }
0x253: {  	v3 =	vor.u32 v3, v4  }
0x254: {  	v4 =	vperm.xlane v3, v0;
	_ =	sdelay $0x1  }
0x255: {  	v4 =	vadd.s32 v1, v4;
	_ =	sdelay $0x1  }
0x256: {  	v3 =	vperm.xlane v3, v2;
	_ =	sdelay $0x1  }
0x257: {  	s12 =	simm.s32 $0x19200;
	v3 =	vadd.s32 v1, v3  }
0x258: {  	[tilespmem:s12], [sflag:$0x2] =	stream.indirect_vreg.gather [hbm4b:s2+s3], $0x80, v4, vm0, $0xb8;
	[tilespmem:$0x1C200] =	vst v63  }
0x259: {  	s12 =	simm.s32 $0x19A00  }
0x25a: {  	[tilespmem:s12], [sflag:$0x2] =	stream.indirect_vreg.gather [hbm4b:s5+s3], $0x80, v4, vm1, $0xb8;
	[tilespmem:$0x1C200] =	vst v63  }
0x25b: {  	s12 =	simm.s32 $0x19E00  }
0x25c: {  	[tilespmem:s12], [sflag:$0x2] =	stream.indirect_vreg.gather [hbm4b:s2+s3], $0x80, v3, vm0, $0xb8;
	[tilespmem:$0x1C200] =	vst v63  }
0x25d: {  	s12 =	simm.s32 $0x1A600  }
0x25e: {  	[tilespmem:s12], [sflag:$0x2] =	stream.indirect_vreg.gather [hbm4b:s5+s3], $0x80, v3, vm1, $0xb8;
	[tilespmem:$0x1C200] =	vst v63  }
0x25f: {  	v3 =	vld [tilespmem:s4+$0x0];
	_ =	sdelay $0x4  }
0x260: {  	v63 =	vshrl.u32 v3, $0x3  }
0x261: {  	v4 =	vmul.u32 $0x18, v63  }
0x262: {  	v3 =	vand.u32 $0x7, v3  }
0x263: {  	v3 =	vor.u32 v3, v4  }
0x264: {  	v4 =	vperm.xlane v3, v0;
	_ =	sdelay $0x1  }
0x265: {  	v4 =	vadd.s32 v1, v4;
	_ =	sdelay $0x2  }
0x266: {  	v3 =	vperm.xlane v3, v2;
	_ =	sdelay $0x1  }
0x267: {  	v3 =	vadd.s32 v1, v3;
	[tilespmem:s14], [sflag:$0x2] =	stream.indirect_vreg.gather [hbm4b:s2+s3], $0x80, v4, vm0, $0xb8;
	[tilespmem:$0x1C200] =	vst v63  }
0x268: {  	p0 =	sne.s32 s6, $0x2F400  }
0x269: {  	[tilespmem:s16], [sflag:$0x2] =	stream.indirect_vreg.gather [hbm4b:s5+s3], $0x80, v4, vm1, $0xb8;
	[tilespmem:$0x1C200] =	vst v63  }
.Ltmp0:
0x26a: {  	_ = 	snop;
	(pc) =	sbr.rel @p0 .LBB2_2-.Ltmp0, $4  }
0x26b: {  	s19 =	simm.s32 $0x1200  }
0x26c: {  	[tilespmem:s18], [sflag:$0x2] =	stream.indirect_vreg.gather [hbm4b:s2+s3], $0x80, v3, vm0, $0xb8;
	[tilespmem:$0x1C200] =	vst v63  }
0x26d: {  	s6 =	sadd.s32 $0x3600, s6;
	s9 =	simm.s32 $0xEA00;
	s4 =	sadd.s32 $0x120, s4  }
0x26e: {  	[tilespmem:s21], [sflag:$0x2] =	stream.indirect_vreg.gather [hbm4b:s5+s3], $0x80, v3, vm1, $0xb8;
	[tilespmem:$0x1C200] =	vst v63  }
0x26f: {  	_ =	swait.ge [sflag:s30], $0xD800  }
0x270: {  	[sflag:s30] =	ssyncset.done $0x0  }
0x271: {  	s4 =	rddreg [dreg:$0x6];
	[sflag:s30] =	ssyncadd.s32 $0xFFFF2800  }
0x272: {  	[hbm4b:s4+s3] =	stream.linear.scatter [tilespmem:s19], [sflag:$0x3], $0xD800, $0x38;
	[tilespmem:$0x1C200] =	vst v63  }
0x273: {  	_ =	swait.ge [sflag:s31], $0xD800  }
0x274: {  	[sflag:s31] =	ssyncset.done $0x0  }
0x275: {  	s25 =	rddreg [dreg:$0x7];
	[sflag:s31] =	ssyncadd.s32 $0xFFFF2800  }
0x276: {  	[hbm4b:s25+s3] =	stream.linear.scatter [tilespmem:s9], [sflag:$0x4], $0xD800, $0x38;
	[tilespmem:$0x1C200] =	vst v63  }
0x277: {  	_ =	swait.ge [sflag:s1], $0xD800  }
0x278: {  	[sflag:s1] =	ssyncset.done $0x0  }
0x279: {  	s8 =	simm.s32 $0x2600;
	s28 =	simm.s32 $0x2A00;
	[sflag:s1] =	ssyncadd.s32 $0xFFFF2800  }
0x27a: {  	s11 =	simm.s32 $0x3200;
	s12 =	simm.s32 $0x3600;
	_ =	swait.ge [sflag:s0], $0xD800  }
0x27b: {  	s13 =	simm.s32 $0x3E00;
	s14 =	simm.s32 $0x4200;
	s6 =	rddreg [dreg:$0x9]  }
0x27c: {  	s15 =	simm.s32 $0x4A00;
	s26 =	rddreg [dreg:$0x8];
	s6 =	sadd.s32 $0x1, s6  }
0x27d: {  	s16 =	simm.s32 $0x4E00;
	s17 =	simm.s32 $0x5600;
	p0 =	sne.s32 s6, s26  }
.Ltmp1:
0x27e: {  	s18 =	simm.s32 $0x5A00;
	s20 =	simm.s32 $0x6200;
	(pc) =	sbr.rel @p0 .LBB2_1-.Ltmp1, $4  }
0x27f: {  	s21 =	simm.s32 $0x6600;
	s22 =	simm.s32 $0x6E00;
	s23 =	simm.s32 $0x7200  }
0x280: {  	s24 =	simm.s32 $0x7A00;
	s10 =	simm.s32 $0x9200;
	[sflag:s0] =	ssyncset.done $0x0  }
0x281: {  	s29 =	simm.s32 $0x9600;
	s25 =	simm.s32 $0x7E00;
	[sflag:s0] =	ssyncadd.s32 $0xFFFF2800  }
0x282: {  	[dreg:$0x9] =	wrdreg s6;
	s6 =	simm.s32 $0x1E00;
	s26 =	simm.s32 $0x8600  }
0x283: {  	_ =	sfence.sel $0x180000  }
0x284: {  	[bflag:$0x0] =	sbarrier.arrive $0xFFFF  }
0x285: {  	_ =	strace $0x9000004A  }
0x286: {  	s0 =	stileid.u32;
	[bflag:$0x2] =	sbarrier.arrive $0xFFFF  }
0x287: {  	p0 =	sne.s32 s0, $0x0;
	s0 =	rddreg [dreg:$0x2]  }
0x288: {  	s0 =	sadd.s32 @!p0 $0x100000, s0  }
0x289: {  	[sflag:s0] =	ssyncadd.tile.s32 @!p0 $0x1;
	_ =	shalt  }
.Lfunc_end2:
_tile_overlayer_lowered:
.L_overlay_start_2:
0x28a: {  	(tag) =	ssettag $0x2  }
0x28b: {  	s0 =	rddreg [dreg:$0x0];
	s2 =	stileid.u32  }
0x28c: {  	s1 =	rddreg [dreg:$0x1];
	p0 =	sne.s32 s2, $0x0  }
0x28d: {  	s3 =	rddreg [dreg:$0x2];
	[bflag:$0x3] =	sbarrier.arrive $0xFFFF;
	s2 =	simm.s32 @!p0 $0x1C05  }
0x28e: {  	[timem:s3], [sflag:s2] =	dma.local @!p0 [hbm:s0], s1  }
0x28f: {  	s0 =	simm.s32 @!p0 $0x5  }
0x290: {  	_ =	swait.ge @!p0 [sflag:s0], s1  }
0x291: {  	s1 =	ssub.s32 @!p0 $0x0, s1;
	[sflag:s0] =	ssyncset.done @!p0 $0x0  }
0x292: {  	[sflag:s0] =	ssyncadd.s32 @!p0 s1  }
0x293: {  	[bflag:$0x3] =	sbarrier.arrive $0xFFFF  }
0x294: {  	_ =	shalt  }

// kernel: sparse-core-data-format-call.1.cloned.1.call-start
scs
called_computation.1_lowered:
.L_overlay_start_0:
0x0: {  	s2 =	sld [smem:$0x3FD9]  }
0x1: {  	s3 =	sld [smem:$0x3FFE];
	_ =	sdelay $0x1  }
0x2: {  	s1 =	srdreg.scid  }
0x3: {  	s0 =	sand.u32 $0x1, s1  }
0x4: {  	s19 =	sshll.u32 s0, $0xA;
	s2 =	sadd.s32 s3, s2  }
0x5: {  	s2 =	sadd.s32 s2, s19  }
0x6: {  	[smem:$0x3FC6] =	sst s2  }
0x7: {  	_ = 	snop  }
0x8: {  	s2 =	sld [smem:$0x3FC9]  }
0x9: {  	s20 =	sld [smem:$0x3FD0];
	(tm) =	ssettm $0x1  }
0xa: {  	s4 =	sld [smem:$0x3FFB];
	_ =	sdelay $0x3  }
0xb: {  	_ =	strace s4  }
0xc: {  	s4 =	sld [smem:$0x3FFC];
	_ =	sdelay $0x3  }
0xd: {  	_ =	strace s4  }
0xe: {  	s4 =	sld [smem:$0x3FFD];
	_ =	sdelay $0x3  }
0xf: {  	_ =	strace s4  }
0x10: {  	_ =	strace $0x8FFFFFFF  }
0x11: {  	s21 =	sld [smem:$0x3FDB];
	_ =	sdelay $0x1  }
0x12: {  	s5 =	simm.s32 $_scs_section_size  }
0x13: {  	s6 =	simm.s32 $_size__tile_overlayer_lowered;
	s7 =	simm.s32 $_tile_overlayer_lowered  }
0x14: {  	s24 =	simm.s32 $0x1BFF;
	s23 =	sshll.u32 s7, $0x1;
	s4 =	sadd.s32 s5, s21  }
0x15: {  	s8 =	simm.s32 $0x0;
	s22 =	sshll.u32 s6, $0x1;
	s6 =	sadd.s32 s23, s4  }
0x16: {  	[timem:s8], [sflag:s24] =	dma.local [hbm:s6], s22  }
0x17: {  	_ =	swait.ge [sflag:s24], s22  }
0x18: {  	s5 =	ssub.s32 $0x0, s22;
	[sflag:s24] =	ssyncset.done $0x0  }
0x19: {  	[sflag:s24] =	ssyncadd.s32 s5;
	_ =	sdelay $0x1  }
0x1a: {  	s25 =	simm.s32 $0x1B8B  }
0x1b: {  	_ =	swait.ge [sflag:s25], $0x1  }
0x1c: {  	[sflag:s25] =	ssyncset.done $0x0  }
0x1d: {  	s26 =	simm.s32 $0x1B8E;
	[sflag:s25] =	ssyncadd.s32 $0xFFFFFFFF  }
0x1e: {  	s27 =	simm.s32 $execute0_lowered;
	[smem:$0x3FD2] =	sst s26  }
0x1f: {  	s5 =	sshll.u32 s27, $0x1;
	_ =	strace $0x80000046;
	[dreg:$0x1] =	wrdreg $0xFFFFFFFF  }
0x20: {  	s28 =	simm.s32 $_size_execute0_lowered;
	s4 =	sadd.s32 s4, s5;
	[dreg:$0x0] =	wrdreg $0x0  }
0x21: {  	s5 =	sshll.u32 s28, $0x1;
	[dreg:$0x2] =	wrdreg s4  }
0x22: {  	[dreg:$0x3] =	wrdreg s5  }
0x23: {  	[dreg:$0x4] =	wrdreg $0xC0  }
0x24: {  	_ =	task [dreg:s8], $0x5FFFF  }
0x25: {  	[dreg:$0x1] =	wrdreg $0xFFFFFFFF  }
0x26: {  	[dreg:$0x0] =	wrdreg $0x60  }
0x27: {  	[dreg:$0x2] =	wrdreg s2  }
0x28: {  	[dreg:$0x3] =	wrdreg s20  }
0x29: {  	[dreg:$0x4] =	wrdreg $0x9  }
0x2a: {  	_ =	task.clear_ibuf [dreg:s8], $0x5FFFF;
	_ =	strace $0x90000046  }
0x2b: {  	s29 =	simm.s32 $0x9;
	_ =	strace $0x80000048  }
0x2c: {  	_ =	swait.ge [sflag:s29], $0x1  }
0x2d: {  	[sflag:s29] =	ssyncadd.s32 $0xFFFFFFFF  }
0x2e: {  	_ =	strace $0x90000048  }
0x2f: {  	_ =	sfence  }
0x30: {  	s30 =	sld [smem:$0x0];
	_ =	sdelay $0x2  }
0x31: {  	s31 =	sshll.u32 s1, $0xD;
	s1 =	sshrl.u32 s1, $0x2  }
0x32: {  	s3 =	sand.u32 $0x4000, s31;
	s1 =	sadd.s32 s1, s30  }
0x33: {  	s0 =	sor.u32 s3, s0;
	s1 =	sshll.u32 s1, $0x11  }
0x34: {  	s0 =	sor.u32 s1, s0  }
0x35: {  	s0 =	sadd.s32 $0x8F2B, s0  }
0x36: {  	[sflag:s0] =	ssyncadd.remote.s32 $0x1  }
0x37: {  	_ =	sfence.sel $0xFFFF  }
0x38: {  	[dreg:$0x0] =	wrdreg $0xFFFFFFFF;
	(pc) =	sbr.abs _section_cstart, $3  }
0x39: {  	[dreg:$0x1] =	wrdreg $0xFFFFFFFF  }
0x3a: {  	_ =	task.clear_ibuf [dreg:s8], $0x2FFFF;
	_ =	strace $0x9FFFFFFF  }
0x3b: {  	(tm) =	ssettm $0x7FFFFFFF  }
tec
execute0_lowered:
.L_overlay_start_1:
0x0: {  	(tag) =	ssettag $0x1  }
0x1: {  	s2 =	rddreg [dreg:$0x0]  }
0x2: {  	s3 =	rddreg [dreg:$0x1]  }
0x3: {  	s0 =	rddreg [dreg:$0x2];
	s1 =	srdreg.scid;
	_ =	strace $0x80000047  }
0x4: {  	s6 =	simm.s32 $0x2;
	s12 =	simm.s32 $0x0;
	p0 =	por $0x0, $0x0  }
.Ltmp0:
0x5: {  	s11 =	simm.s32 $0x0;
	s13 =	simm.s32 $0x0;
	(pc) =	sbr.rel .LBB1_1-.Ltmp0, $4  }
0x6: {  	s8 =	simm.s32 $0x0;
	s10 =	simm.s32 $0x0;
	s4 =	sshll.u32 s1, $0x4  }
0x7: {  	s1 =	stileid.u32;
	s5 =	sand.u32 $0x10, s4;
	s4 =	simm.s32 $0x1  }
0x8: {  	s7 =	simm.s32 $0x0;
	s5 =	sor.u32 s1, s5;
	[sflag:s4] =	ssyncpa.u1 $0x0  }
0x9: {  	[sflag:s6] =	ssyncpa.u1 $0x0;
	s6 =	simm.s32 $0xC00;
	s9 =	smov.u32 s5  }
.LBB1_5:
0xa: {  	s14 =	sadd.s32 $0x80, s8  }
0xb: {  	s11 =	sadd.s32 $0x20, s9;
	s15 =	smov.u32 s9;
	p2 =	sgt.s32 s14, $0x17F  }
0xc: {  	s15 =	smov.u32 @p2 s11  }
0xd: {  	s17 =	smov.u32 s10;
	s11 =	sadd.s32 $0x80, s10;
	p3 =	sgt.s32 s15, $0x17F  }
0xe: {  	p1 =	slt.u32 s7, $0x2;
	s17 =	smov.u32 @p3 s11  }
0xf: {  	s7 =	sadd.s32 $0x1, s7;
	s14 =	simm.s32 @p2 $0x0;
	p2 =	sgt.s32 s17, $0x17F  }
0x10: {  	s17 =	simm.s32 @p2 $0x0;
	p2 =	sne.s32 s7, $0x6E  }
.Ltmp1:
0x11: {  	s16 =	simm.s32 @!p1 $0x2;
	(pc) =	sbr.rel @!p2 .LBB1_6-.Ltmp1, $4  }
0x12: {  	s12 =	smov.u32 s8;
	_ =	swait.ge @!p1 [sflag:s16], $0x4000  }
0x13: {  	s13 =	smov.u32 s10;
	p0 =	por !p0, !p0;
	[sflag:s16] =	ssyncset.done @!p1 $0x0  }
0x14: {  	s8 =	smov.u32 s14;
	s15 =	smov.u32 @p3 s5;
	s11 =	smov.u32 s9  }
0x15: {  	[sflag:s16] =	ssyncadd.s32 @!p1 $0xFFFFC000;
	s9 =	smov.u32 s15;
	s10 =	smov.u32 s17  }
.LBB1_1:
0x16: {  	p1 =	sgt.u32 s7, $0x6B  }
0x17: {  	s14 =	sshrl.u32 @!p1 s9, $0x3  }
0x18: {  	s15 =	sshll.u32 @!p1 s8, $0x3;
	s14 =	smul.u32 @!p1 $0xC00, s14  }
0x19: {  	s16 =	sshll.u32 @!p1 s9, $0x7;
	s15 =	sand.u32 @!p1 $0xFFFFFC00, s15  }
0x1a: {  	s14 =	sadd.s32 @!p1 s14, s15;
	s15 =	sand.u32 @!p1 $0x380, s16  }
0x1b: {  	s14 =	sor.u32 @!p1 s15, s14  }
0x1c: {  	s15 =	sand.u32 @!p1 $0x7F, s8;
	s16 =	smulhi.u32 @!p1 $0xAAAAAAAB, s14  }
0x1d: {  	s14 =	sor.u32 @!p1 s15, s14  }
0x1e: {  	s15 =	smulhi.u32 @!p1 $0xAAAAAAAB, s14;
	s16 =	sshrl.u32 @!p1 s16, $0x8  }
0x1f: {  	s17 =	smulhi.u32 @!p1 $0xAAAAAB, s16;
	_ =	sdelay $0x1  }
0x20: {  	s15 =	sshrl.u32 @!p1 s15, $0x8;
	s17 =	smul.u32 @!p1 $0x180, s17  }
0x21: {  	s15 =	smul.u32 @!p1 $0x180, s15  }
0x22: {  	s18 =	sxor.u32 @!p1 $0xFFFFFFFF, s7;
	s16 =	ssub.s32 @!p1 s16, s17;
	s17 =	smul.u32 @!p1 $0x4800, s10  }
0x23: {  	s18 =	sshll.u32 @!p1 s18, $0xE;
	s14 =	ssub.s32 @!p1 s14, s15;
	s15 =	smul.u32 @!p1 $0x30, s16  }
0x24: {  	s16 =	sand.u32 @!p1 $0x4000, s18;
	s18 =	sand.u32 @!p1 $0x7, s14;
	s17 =	sadd.s32 @!p1 s2, s17  }
0x25: {  	s14 =	sshrl.u32 @!p1 s14, $0x3;
	s15 =	sadd.s32 @!p1 s15, s17;
	s17 =	sshll.u32 @!p1 s18, $0x12  }
0x26: {  	s14 =	sadd.s32 @!p1 s14, s15;
	s15 =	sor.u32 @!p1 $0x80, s17;
	s17 =	simm.s32 @!p1 $0x24000  }
0x27: {  	[tilespmem:s16], [sflag:$0x1] =	stream.strided.gather @!p1 [hbm4b:s14+s15], $0x4000, s17, s15, $0x38;
	[tilespmem:$0x10100] =	vst v63  }
0x28: {  	p1 =	seq.s32 s7, $0x0  }
0x29: {  	p2 =	seq.s32 @!p1 s7, $0x6D  }
0x2a: {  	p1 =	por p1, p2  }
.Ltmp2:
0x2b: {  	_ = 	snop;
	(pc) =	sbr.rel @p1 .LBB1_5-.Ltmp2, $1  }
0x2c: {  	_ =	sdelay $0x3  }
0x2d: {  	s14 =	simm.s32 $0x1  }
0x2e: {  	_ =	swait.ge [sflag:s4], $0x4000;
	s14 =	simm.s32 @!p0 $0x0  }
0x2f: {  	[sflag:s4] =	ssyncset.done $0x0;
	s15 =	sshll.u32 s14, $0xE  }
0x30: {  	[sflag:s4] =	ssyncadd.s32 $0xFFFFC000;
	s17 =	sor.u32 $0x40, s15  }
0x31: {  	s14 =	smul.u32 $0x10200, s14;
	v0 =	vld [tilespmem:s17+$0x30]  }
0x32: {  	v1 =	vld [tilespmem:s17+$0xFFFFFFD0]  }
0x33: {  	s14 =	sshrl.u32 s14, $0x2;
	v5 =	vld [tilespmem:s17+$0xFFFFFFE0]  }
0x34: {  	v6 =	vld [tilespmem:s17+$0xFFFFFFF0];
	s15 =	sor.u32 $0x8000, s14  }
0x35: {  	s31 =	sand.u32 $0x1, s7;
	v4 =	vld [tilespmem:s17+$0x0];
	s16 =	sadd.s32 $0x0, s15  }
0x36: {  	v3 =	vld [tilespmem:s17+$0x10];
	s14 =	smul.u32 $0x10200, s31;
	[tilespmem:s16+$0x3870 ss:$0x81] =	vst.msk $0xffff, v0  }
0x37: {  	v2 =	vld [tilespmem:s17+$0x20];
	[tilespmem:s16+$0x810 ss:$0x81] =	vst.msk $0xffff, v1  }
0x38: {  	s14 =	sshrl.u32 s14, $0x2;
	v0 =	vld [tilespmem:s17+$0xFFFFFFC0];
	[tilespmem:s16+$0x1020 ss:$0x81] =	vst.msk $0xffff, v5;
	s17 =	sadd.s32 $0x80, s17  }
0x39: {  	s18 =	simm.s32 $0x4;
	s19 =	simm.s32 $0x8;
	s14 =	sor.u32 $0x8000, s14;
	[tilespmem:s16+$0x1830 ss:$0x81] =	vst.msk $0xffff, v6;
	v1 =	vld [tilespmem:s17+$0x30]  }
.LBB1_3:
0x3a: {  	p1 =	sne.s32 s19, $0x1FC;
	v5 =	vld [tilespmem:s17+$0xFFFFFFD0];
	[tilespmem:s16+$0x2040 ss:$0x81] =	vst.msk $0xffff, v4  }
0x3b: {  	v6 =	vld [tilespmem:s17+$0xFFFFFFE0];
	[tilespmem:s16+$0x2850 ss:$0x81] =	vst.msk $0xffff, v3  }
0x3c: {  	s20 =	sshra.s32 s18, $0x2;
	s18 =	smov.u32 s19;
	v7 =	vld [tilespmem:s17+$0xFFFFFFF0];
	[tilespmem:s16+$0x3060 ss:$0x81] =	vst.msk $0xffff, v2  }
.Ltmp3:
0x3d: {  	v4 =	vld [tilespmem:s17+$0x0];
	[tilespmem:s16+$0x0 ss:$0x81] =	vst.msk $0xffff, v0;
	s16 =	sadd.s32 s20, s15;
	(pc) =	sbr.rel @p1 .LBB1_3-.Ltmp3, $4  }
0x3e: {  	v3 =	vld [tilespmem:s17+$0x10];
	[tilespmem:s16+$0x3870 ss:$0x81] =	vst.msk $0xffff, v1  }
0x3f: {  	[tilespmem:s16+$0x810 ss:$0x81] =	vst.msk $0xffff, v5;
	v2 =	vld [tilespmem:s17+$0x20]  }
0x40: {  	v0 =	vld [tilespmem:s17+$0xFFFFFFC0];
	[tilespmem:s16+$0x1020 ss:$0x81] =	vst.msk $0xffff, v6;
	s17 =	sadd.s32 $0x80, s17  }
0x41: {  	s19 =	sadd.s32 $0x4, s19;
	v1 =	vld [tilespmem:s17+$0x30];
	[tilespmem:s16+$0x1830 ss:$0x81] =	vst.msk $0xffff, v7  }
0x42: {  	s19 =	sshrl.u32 s12, $0x3  }
0x43: {  	s20 =	sshll.u32 s13, $0x3;
	s19 =	smul.u32 $0xC00, s19  }
0x44: {  	s24 =	sshll.u32 s12, $0x7;
	s20 =	sand.u32 $0xFFFFFC00, s20  }
0x45: {  	s12 =	sand.u32 $0x380, s24;
	s19 =	sadd.s32 s20, s19  }
0x46: {  	s12 =	sor.u32 s12, s19  }
0x47: {  	s19 =	smulhi.u32 $0xAAAAAAAB, s12  }
0x48: {  	v5 =	vld [tilespmem:s17+$0xFFFFFFD0];
	[tilespmem:s16+$0x2040 ss:$0x81] =	vst.msk $0xffff, v4  }
0x49: {  	s25 =	sand.u32 $0x7F, s13;
	v58 =	vld [tilespmem:s17+$0xFFFFFFE0];
	[tilespmem:s16+$0x2850 ss:$0x81] =	vst.msk $0xffff, v3;
	s19 =	sshrl.u32 s19, $0x8  }
0x4a: {  	s26 =	sshra.s32 s18, $0x2;
	v59 =	vld [tilespmem:s17+$0xFFFFFFF0];
	[tilespmem:s16+$0x3060 ss:$0x81] =	vst.msk $0xffff, v2;
	s12 =	sor.u32 s25, s12;
	s28 =	smulhi.u32 $0xAAAAAB, s19  }
0x4b: {  	v60 =	vld [tilespmem:s17+$0x0];
	s13 =	sadd.s32 s26, s15;
	[tilespmem:s16+$0x0 ss:$0x81] =	vst.msk $0xffff, v0;
	s27 =	smulhi.u32 $0xAAAAAAAB, s12  }
0x4c: {  	v61 =	vld [tilespmem:s17+$0x10];
	[tilespmem:s13+$0x3870 ss:$0x81] =	vst.msk $0xffff, v1;
	s15 =	smul.u32 $0x180, s28  }
0x4d: {  	v62 =	vld [tilespmem:s17+$0x20];
	s11 =	smul.u32 $0x4800, s11;
	[tilespmem:s13+$0x810 ss:$0x81] =	vst.msk $0xffff, v5;
	s29 =	sshrl.u32 s27, $0x8  }
0x4e: {  	v63 =	vld [tilespmem:s17+$0xFFFFFFC0];
	[tilespmem:s13+$0x1020 ss:$0x81] =	vst.msk $0xffff, v58;
	s16 =	smul.u32 $0x180, s29;
	s15 =	ssub.s32 s19, s15  }
0x4f: {  	[tilespmem:s13+$0x1830 ss:$0x81] =	vst.msk $0xffff, v59;
	s15 =	smul.u32 $0x30, s15  }
.Ltmp4:
0x50: {  	[tilespmem:s13+$0x2040 ss:$0x81] =	vst.msk $0xffff, v60;
	s12 =	ssub.s32 s12, s16;
	(pc) =	sbr.rel .LBB1_5-.Ltmp4, $4  }
0x51: {  	s11 =	sadd.s32 s3, s11;
	[tilespmem:s13+$0x2850 ss:$0x81] =	vst.msk $0xffff, v61;
	s16 =	sand.u32 $0x7, s12  }
0x52: {  	[tilespmem:s13+$0x3060 ss:$0x81] =	vst.msk $0xffff, v62;
	s12 =	sshrl.u32 s12, $0x3;
	s30 =	sshll.u32 s16, $0x12;
	s11 =	sadd.s32 s15, s11  }
0x53: {  	[tilespmem:s13+$0x0 ss:$0x81] =	vst.msk $0xffff, v63;
	s31 =	sor.u32 $0x400, s30;
	s11 =	sadd.s32 s12, s11  }
0x54: {  	[hbm4b:s11+s31] =	stream.strided.scatter [tilespmem:s14], [sflag:$0x2], $0x4000, s6, s31, $0x20;
	[tilespmem:$0x10100] =	vst v63  }
.LBB1_6:
0x55: {  	_ =	sfence.sel $0x180000  }
0x56: {  	s2 =	simm.s32 $0x1;
	[bflag:$0x0] =	sbarrier.arrive $0xFFFF  }
0x57: {  	s31 =	simm.s32 $0x2;
	[sflag:s2] =	ssyncpa.u1 $0x1  }
0x58: {  	[sflag:s31] =	ssyncpa.u1 $0x1  }
0x59: {  	p0 =	sne.s32 s1, $0x0;
	_ =	strace $0x90000047  }
0x5a: {  	s0 =	sadd.s32 @!p0 $0x100000, s0;
	[bflag:$0x2] =	sbarrier.arrive $0xFFFF  }
0x5b: {  	[sflag:s0] =	ssyncadd.tile.s32 @!p0 $0x1;
	_ =	shalt  }
.Lfunc_end1:
_tile_overlayer_lowered:
.L_overlay_start_2:
0x5c: {  	(tag) =	ssettag $0x2  }
0x5d: {  	s0 =	rddreg [dreg:$0x0];
	s2 =	stileid.u32  }
0x5e: {  	s1 =	rddreg [dreg:$0x1];
	p0 =	sne.s32 s2, $0x0  }
0x5f: {  	s3 =	rddreg [dreg:$0x2];
	[bflag:$0x3] =	sbarrier.arrive $0xFFFF;
	s2 =	simm.s32 @!p0 $0x1C01  }
0x60: {  	[timem:s3], [sflag:s2] =	dma.local @!p0 [hbm:s0], s1  }
0x61: {  	s0 =	simm.s32 @!p0 $0x1  }
0x62: {  	_ =	swait.ge @!p0 [sflag:s0], s1  }
0x63: {  	s1 =	ssub.s32 @!p0 $0x0, s1;
	[sflag:s0] =	ssyncset.done @!p0 $0x0  }
0x64: {  	[sflag:s0] =	ssyncadd.s32 @!p0 s1  }
0x65: {  	[bflag:$0x3] =	sbarrier.arrive $0xFFFF  }
0x66: {  	_ =	shalt  }

// kernel: sparse-core-data-format-call.cloned.1.call-start
scs
called_computation_lowered:
.L_overlay_start_0:
0x0: {  	s2 =	sld [smem:$0x3FD9]  }
0x1: {  	s3 =	sld [smem:$0x3FFE];
	_ =	sdelay $0x1  }
0x2: {  	s1 =	srdreg.scid  }
0x3: {  	s0 =	sand.u32 $0x1, s1  }
0x4: {  	s18 =	sshll.u32 s0, $0xA;
	s2 =	sadd.s32 s3, s2  }
0x5: {  	s2 =	sadd.s32 s2, s18  }
0x6: {  	[smem:$0x3FC6] =	sst s2  }
0x7: {  	_ = 	snop  }
0x8: {  	s2 =	sld [smem:$0x3FD0];
	(tm) =	ssettm $0x1  }
0x9: {  	s19 =	sld [smem:$0x3FFB];
	_ =	sdelay $0x3  }
0xa: {  	_ =	strace s19  }
0xb: {  	s3 =	sld [smem:$0x3FFC];
	_ =	sdelay $0x3  }
0xc: {  	_ =	strace s3  }
0xd: {  	s3 =	sld [smem:$0x3FFD];
	_ =	sdelay $0x3  }
0xe: {  	_ =	strace s3  }
0xf: {  	_ =	strace $0x8FFFFFFF  }
0x10: {  	s20 =	sld [smem:$0x3FDB];
	_ =	sdelay $0x1  }
0x11: {  	s4 =	simm.s32 $_scs_section_size  }
0x12: {  	s5 =	simm.s32 $_size__tile_overlayer_lowered;
	s6 =	simm.s32 $_tile_overlayer_lowered  }
0x13: {  	s23 =	simm.s32 $0x1BFF;
	s22 =	sshll.u32 s6, $0x1;
	s3 =	sadd.s32 s4, s20  }
0x14: {  	s7 =	simm.s32 $0x0;
	s21 =	sshll.u32 s5, $0x1;
	s5 =	sadd.s32 s22, s3  }
0x15: {  	[timem:s7], [sflag:s23] =	dma.local [hbm:s5], s21  }
0x16: {  	_ =	swait.ge [sflag:s23], s21  }
0x17: {  	s4 =	ssub.s32 $0x0, s21;
	[sflag:s23] =	ssyncset.done $0x0  }
0x18: {  	[sflag:s23] =	ssyncadd.s32 s4;
	_ =	sdelay $0x1  }
0x19: {  	s24 =	simm.s32 $0x1B8B  }
0x1a: {  	_ =	swait.ge [sflag:s24], $0x1  }
0x1b: {  	[sflag:s24] =	ssyncset.done $0x0  }
0x1c: {  	s26 =	simm.s32 $0x1B8E;
	s25 =	sld [smem:$0x3FFE];
	[sflag:s24] =	ssyncadd.s32 $0xFFFFFFFF  }
0x1d: {  	s27 =	simm.s32 $execute0_lowered;
	[smem:$0x3FD2] =	sst s26  }
0x1e: {  	s5 =	sshll.u32 s27, $0x1;
	_ =	strace $0x8000004C;
	[dreg:$0x1] =	wrdreg $0xFFFFFFFF  }
0x1f: {  	s28 =	simm.s32 $_size_execute0_lowered;
	s3 =	sadd.s32 s3, s5;
	[dreg:$0x0] =	wrdreg $0x0  }
0x20: {  	s5 =	sshll.u32 s28, $0x1;
	[dreg:$0x2] =	wrdreg s3  }
0x21: {  	[dreg:$0x3] =	wrdreg s5  }
0x22: {  	[dreg:$0x4] =	wrdreg $0xC0  }
0x23: {  	_ =	task [dreg:s7], $0x5FFFF  }
0x24: {  	[dreg:$0x1] =	wrdreg $0xFFFFFFFF  }
0x25: {  	[dreg:$0x0] =	wrdreg $0x60  }
0x26: {  	[dreg:$0x2] =	wrdreg s25  }
0x27: {  	[dreg:$0x3] =	wrdreg s2  }
0x28: {  	[dreg:$0x4] =	wrdreg $0x9  }
0x29: {  	_ =	task.clear_ibuf [dreg:s7], $0x5FFFF;
	_ =	strace $0x9000004C  }
0x2a: {  	s29 =	simm.s32 $0x9;
	_ =	strace $0x8000004E  }
0x2b: {  	_ =	swait.ge [sflag:s29], $0x1  }
0x2c: {  	[sflag:s29] =	ssyncadd.s32 $0xFFFFFFFF  }
0x2d: {  	_ =	strace $0x9000004E  }
0x2e: {  	_ =	sfence  }
0x2f: {  	s30 =	sld [smem:$0x0];
	_ =	sdelay $0x2  }
0x30: {  	s31 =	sshll.u32 s1, $0xD;
	s1 =	sshrl.u32 s1, $0x2  }
0x31: {  	s3 =	sand.u32 $0x4000, s31;
	s1 =	sadd.s32 s1, s30  }
0x32: {  	s0 =	sor.u32 s3, s0;
	s1 =	sshll.u32 s1, $0x11  }
0x33: {  	s0 =	sor.u32 s1, s0  }
0x34: {  	s0 =	sadd.s32 $0x8F2B, s0  }
0x35: {  	[sflag:s0] =	ssyncadd.remote.s32 $0x1  }
0x36: {  	_ =	sfence.sel $0xFFFF  }
0x37: {  	[dreg:$0x0] =	wrdreg $0xFFFFFFFF;
	(pc) =	sbr.abs _section_cstart, $3  }
0x38: {  	[dreg:$0x1] =	wrdreg $0xFFFFFFFF  }
0x39: {  	_ =	task.clear_ibuf [dreg:s7], $0x2FFFF;
	_ =	strace $0x9FFFFFFF  }
0x3a: {  	(tm) =	ssettm $0x7FFFFFFF  }
0x3b: {  	_ =	shalt  }
tec
execute0_lowered:
.L_overlay_start_1:
0x0: {  	(tag) =	ssettag $0x1  }
0x1: {  	s1 =	rddreg [dreg:$0x0]  }
0x2: {  	s2 =	rddreg [dreg:$0x1]  }
0x3: {  	s0 =	rddreg [dreg:$0x2]  }
0x4: {  	s4 =	srdreg.scid;
	_ =	strace $0x8000004D;
	s6 =	simm.s32 $0x2  }
0x5: {  	s11 =	simm.s32 $0x0;
	p0 =	por $0x0, $0x0;
	s12 =	simm.s32 $0x0  }
.Ltmp0:
0x6: {  	s13 =	simm.s32 $0x0;
	s8 =	simm.s32 $0x0;
	(pc) =	sbr.rel .LBB1_1-.Ltmp0, $4  }
0x7: {  	s9 =	simm.s32 $0x0;
	s3 =	sadd.s32 $0x5600, s1;
	s4 =	sshll.u32 s4, $0x4  }
0x8: {  	s1 =	stileid.u32;
	s5 =	sand.u32 $0x10, s4;
	s4 =	simm.s32 $0x1  }
0x9: {  	s7 =	simm.s32 $0x0;
	s5 =	sor.u32 s1, s5;
	[sflag:s4] =	ssyncpa.u1 $0x0  }
0xa: {  	[sflag:s6] =	ssyncpa.u1 $0x0;
	s6 =	simm.s32 $0x24000;
	s10 =	smov.u32 s5  }
.LBB1_5:
0xb: {  	s14 =	sadd.s32 $0x80, s8  }
0xc: {  	s11 =	sadd.s32 $0x80, s9;
	s15 =	smov.u32 s9;
	p2 =	sgt.s32 s14, $0x17F  }
0xd: {  	s15 =	smov.u32 @p2 s11  }
0xe: {  	s17 =	smov.u32 s10;
	s11 =	sadd.s32 $0x20, s10;
	p3 =	sgt.s32 s15, $0x17F  }
0xf: {  	p1 =	slt.u32 s7, $0x2;
	s17 =	smov.u32 @p3 s11  }
0x10: {  	s7 =	sadd.s32 $0x1, s7;
	s14 =	simm.s32 @p2 $0x0;
	p2 =	sgt.s32 s17, $0x17F  }
0x11: {  	s17 =	smov.u32 @p2 s5;
	p2 =	sne.s32 s7, $0x6E  }
.Ltmp1:
0x12: {  	s16 =	simm.s32 @!p1 $0x2;
	(pc) =	sbr.rel @!p2 .LBB1_6-.Ltmp1, $4  }
0x13: {  	s12 =	smov.u32 s9;
	_ =	swait.ge @!p1 [sflag:s16], $0x4000  }
0x14: {  	s13 =	smov.u32 s10;
	p0 =	por !p0, !p0;
	[sflag:s16] =	ssyncset.done @!p1 $0x0  }
0x15: {  	s15 =	simm.s32 @p3 $0x0;
	s11 =	smov.u32 s8;
	[sflag:s16] =	ssyncadd.s32 @!p1 $0xFFFFC000  }
0x16: {  	s8 =	smov.u32 s14;
	s9 =	smov.u32 s15;
	s10 =	smov.u32 s17  }
.LBB1_1:
0x17: {  	p1 =	sgt.u32 s7, $0x6B  }
0x18: {  	s14 =	sshrl.u32 @!p1 s9, $0x3  }
0x19: {  	s15 =	sshll.u32 @!p1 s8, $0x3;
	s14 =	smul.u32 @!p1 $0xC00, s14  }
0x1a: {  	s16 =	sshll.u32 @!p1 s9, $0x7;
	s15 =	sand.u32 @!p1 $0xFFFFFC00, s15  }
0x1b: {  	s14 =	sadd.s32 @!p1 s14, s15;
	s15 =	sand.u32 @!p1 $0x380, s16  }
0x1c: {  	s14 =	sor.u32 @!p1 s15, s14  }
0x1d: {  	s15 =	sand.u32 @!p1 $0x7F, s8;
	s16 =	smulhi.u32 @!p1 $0xAAAAAAAB, s14  }
0x1e: {  	s14 =	sor.u32 @!p1 s15, s14  }
0x1f: {  	s15 =	smulhi.u32 @!p1 $0xAAAAAAAB, s14;
	s16 =	sshrl.u32 @!p1 s16, $0x8  }
0x20: {  	s17 =	smulhi.u32 @!p1 $0xAAAAAB, s16;
	_ =	sdelay $0x1  }
0x21: {  	s15 =	sshrl.u32 @!p1 s15, $0x8;
	s17 =	smul.u32 @!p1 $0x180, s17  }
0x22: {  	s15 =	smul.u32 @!p1 $0x180, s15  }
0x23: {  	s18 =	sxor.u32 @!p1 $0xFFFFFFFF, s7;
	s16 =	ssub.s32 @!p1 s16, s17;
	s17 =	smul.u32 @!p1 $0x4800, s10  }
0x24: {  	s18 =	sshll.u32 @!p1 s18, $0xE;
	s14 =	ssub.s32 @!p1 s14, s15;
	s15 =	smul.u32 @!p1 $0x30, s16  }
0x25: {  	s16 =	sand.u32 @!p1 $0x4000, s18;
	s18 =	sand.u32 @!p1 $0x7, s14;
	s17 =	sadd.s32 @!p1 s3, s17  }
0x26: {  	s14 =	sshrl.u32 @!p1 s14, $0x3;
	s15 =	sadd.s32 @!p1 s15, s17;
	s17 =	sshll.u32 @!p1 s18, $0x12  }
0x27: {  	s14 =	sadd.s32 @!p1 s14, s15;
	s15 =	sor.u32 @!p1 $0x400, s17;
	s17 =	simm.s32 @!p1 $0xC00  }
0x28: {  	[tilespmem:s16], [sflag:$0x1] =	stream.strided.gather @!p1 [hbm4b:s14+s15], $0x4000, s17, s15, $0x38;
	[tilespmem:$0x10100] =	vst v63  }
0x29: {  	p1 =	seq.s32 s7, $0x0  }
0x2a: {  	p2 =	seq.s32 @!p1 s7, $0x6D  }
0x2b: {  	p1 =	por p1, p2  }
.Ltmp2:
0x2c: {  	_ = 	snop;
	(pc) =	sbr.rel @p1 .LBB1_5-.Ltmp2, $1  }
0x2d: {  	_ =	sdelay $0x3  }
0x2e: {  	s14 =	simm.s32 $0x1  }
0x2f: {  	_ =	swait.ge [sflag:s4], $0x4000;
	s14 =	simm.s32 @!p0 $0x0  }
0x30: {  	[sflag:s4] =	ssyncset.done $0x0;
	s15 =	sshll.u32 s14, $0xE  }
0x31: {  	[sflag:s4] =	ssyncadd.s32 $0xFFFFC000;
	s17 =	sor.u32 $0x40, s15  }
0x32: {  	s14 =	smul.u32 $0x10200, s14;
	v0 =	vld [tilespmem:s17+$0x30]  }
0x33: {  	v1 =	vld [tilespmem:s17+$0xFFFFFFD0]  }
0x34: {  	s14 =	sshrl.u32 s14, $0x2;
	v5 =	vld [tilespmem:s17+$0xFFFFFFE0]  }
0x35: {  	v6 =	vld [tilespmem:s17+$0xFFFFFFF0];
	s15 =	sor.u32 $0x8000, s14  }
0x36: {  	s31 =	sand.u32 $0x1, s7;
	v4 =	vld [tilespmem:s17+$0x0];
	s16 =	sadd.s32 $0x0, s15  }
0x37: {  	v3 =	vld [tilespmem:s17+$0x10];
	s14 =	smul.u32 $0x10200, s31;
	[tilespmem:s16+$0x3870 ss:$0x81] =	vst.msk $0xffff, v0  }
0x38: {  	v2 =	vld [tilespmem:s17+$0x20];
	[tilespmem:s16+$0x810 ss:$0x81] =	vst.msk $0xffff, v1  }
0x39: {  	s14 =	sshrl.u32 s14, $0x2;
	v0 =	vld [tilespmem:s17+$0xFFFFFFC0];
	[tilespmem:s16+$0x1020 ss:$0x81] =	vst.msk $0xffff, v5;
	s17 =	sadd.s32 $0x80, s17  }
0x3a: {  	s18 =	simm.s32 $0x4;
	s19 =	simm.s32 $0x8;
	s14 =	sor.u32 $0x8000, s14;
	[tilespmem:s16+$0x1830 ss:$0x81] =	vst.msk $0xffff, v6;
	v1 =	vld [tilespmem:s17+$0x30]  }
.LBB1_3:
0x3b: {  	p1 =	sne.s32 s19, $0x1FC;
	v5 =	vld [tilespmem:s17+$0xFFFFFFD0];
	[tilespmem:s16+$0x2040 ss:$0x81] =	vst.msk $0xffff, v4  }
0x3c: {  	v6 =	vld [tilespmem:s17+$0xFFFFFFE0];
	[tilespmem:s16+$0x2850 ss:$0x81] =	vst.msk $0xffff, v3  }
0x3d: {  	s20 =	sshra.s32 s18, $0x2;
	s18 =	smov.u32 s19;
	v7 =	vld [tilespmem:s17+$0xFFFFFFF0];
	[tilespmem:s16+$0x3060 ss:$0x81] =	vst.msk $0xffff, v2  }
.Ltmp3:
0x3e: {  	v4 =	vld [tilespmem:s17+$0x0];
	[tilespmem:s16+$0x0 ss:$0x81] =	vst.msk $0xffff, v0;
	s16 =	sadd.s32 s20, s15;
	(pc) =	sbr.rel @p1 .LBB1_3-.Ltmp3, $4  }
0x3f: {  	v3 =	vld [tilespmem:s17+$0x10];
	[tilespmem:s16+$0x3870 ss:$0x81] =	vst.msk $0xffff, v1  }
0x40: {  	[tilespmem:s16+$0x810 ss:$0x81] =	vst.msk $0xffff, v5;
	v2 =	vld [tilespmem:s17+$0x20]  }
0x41: {  	v0 =	vld [tilespmem:s17+$0xFFFFFFC0];
	[tilespmem:s16+$0x1020 ss:$0x81] =	vst.msk $0xffff, v6;
	s17 =	sadd.s32 $0x80, s17  }
0x42: {  	s19 =	sadd.s32 $0x4, s19;
	v1 =	vld [tilespmem:s17+$0x30];
	[tilespmem:s16+$0x1830 ss:$0x81] =	vst.msk $0xffff, v7  }
0x43: {  	s19 =	sshrl.u32 s13, $0x3  }
0x44: {  	s20 =	sshll.u32 s12, $0x3;
	s19 =	smul.u32 $0xC00, s19  }
0x45: {  	s24 =	sshll.u32 s13, $0x7;
	s20 =	sand.u32 $0xFFFFFC00, s20  }
0x46: {  	s13 =	sand.u32 $0x380, s24;
	s19 =	sadd.s32 s19, s20  }
0x47: {  	s13 =	sor.u32 s13, s19  }
0x48: {  	s19 =	smulhi.u32 $0xAAAAAAAB, s13  }
0x49: {  	v5 =	vld [tilespmem:s17+$0xFFFFFFD0];
	[tilespmem:s16+$0x2040 ss:$0x81] =	vst.msk $0xffff, v4  }
0x4a: {  	s25 =	sand.u32 $0x7F, s12;
	v58 =	vld [tilespmem:s17+$0xFFFFFFE0];
	[tilespmem:s16+$0x2850 ss:$0x81] =	vst.msk $0xffff, v3;
	s19 =	sshrl.u32 s19, $0x8  }
0x4b: {  	s26 =	sshra.s32 s18, $0x2;
	v59 =	vld [tilespmem:s17+$0xFFFFFFF0];
	[tilespmem:s16+$0x3060 ss:$0x81] =	vst.msk $0xffff, v2;
	s12 =	sor.u32 s25, s13;
	s28 =	smulhi.u32 $0xAAAAAB, s19  }
0x4c: {  	v60 =	vld [tilespmem:s17+$0x0];
	[tilespmem:s16+$0x0 ss:$0x81] =	vst.msk $0xffff, v0;
	s13 =	sadd.s32 s26, s15;
	s27 =	smulhi.u32 $0xAAAAAAAB, s12  }
0x4d: {  	v61 =	vld [tilespmem:s17+$0x10];
	[tilespmem:s13+$0x3870 ss:$0x81] =	vst.msk $0xffff, v1;
	s15 =	smul.u32 $0x180, s28  }
0x4e: {  	v62 =	vld [tilespmem:s17+$0x20];
	s11 =	smul.u32 $0x4800, s11;
	[tilespmem:s13+$0x810 ss:$0x81] =	vst.msk $0xffff, v5;
	s29 =	sshrl.u32 s27, $0x8  }
0x4f: {  	v63 =	vld [tilespmem:s17+$0xFFFFFFC0];
	[tilespmem:s13+$0x1020 ss:$0x81] =	vst.msk $0xffff, v58;
	s16 =	smul.u32 $0x180, s29;
	s15 =	ssub.s32 s19, s15  }
0x50: {  	[tilespmem:s13+$0x1830 ss:$0x81] =	vst.msk $0xffff, v59;
	s15 =	smul.u32 $0x30, s15  }
.Ltmp4:
0x51: {  	[tilespmem:s13+$0x2040 ss:$0x81] =	vst.msk $0xffff, v60;
	s12 =	ssub.s32 s12, s16;
	(pc) =	sbr.rel .LBB1_5-.Ltmp4, $4  }
0x52: {  	s11 =	sadd.s32 s2, s11;
	[tilespmem:s13+$0x2850 ss:$0x81] =	vst.msk $0xffff, v61;
	s16 =	sand.u32 $0x7, s12  }
0x53: {  	[tilespmem:s13+$0x3060 ss:$0x81] =	vst.msk $0xffff, v62;
	s12 =	sshrl.u32 s12, $0x3;
	s30 =	sshll.u32 s16, $0x12;
	s11 =	sadd.s32 s15, s11  }
0x54: {  	[tilespmem:s13+$0x0 ss:$0x81] =	vst.msk $0xffff, v63;
	s31 =	sor.u32 $0x80, s30;
	s11 =	sadd.s32 s12, s11  }
0x55: {  	[hbm4b:s11+s31] =	stream.strided.scatter [tilespmem:s14], [sflag:$0x2], $0x4000, s6, s31, $0x20;
	[tilespmem:$0x10100] =	vst v63  }
.LBB1_6:
0x56: {  	_ =	sfence.sel $0x180000  }
0x57: {  	s2 =	simm.s32 $0x1;
	[bflag:$0x0] =	sbarrier.arrive $0xFFFF  }
0x58: {  	s31 =	simm.s32 $0x2;
	[sflag:s2] =	ssyncpa.u1 $0x1  }
0x59: {  	[sflag:s31] =	ssyncpa.u1 $0x1  }
0x5a: {  	p0 =	sne.s32 s1, $0x0;
	_ =	strace $0x9000004D  }
0x5b: {  	s0 =	sadd.s32 @!p0 $0x100000, s0;
	[bflag:$0x2] =	sbarrier.arrive $0xFFFF  }
0x5c: {  	[sflag:s0] =	ssyncadd.tile.s32 @!p0 $0x1;
	_ =	shalt  }
.Lfunc_end1:
_tile_overlayer_lowered:
.L_overlay_start_2:
0x5d: {  	(tag) =	ssettag $0x2  }
0x5e: {  	s0 =	rddreg [dreg:$0x0];
	s2 =	stileid.u32  }
0x5f: {  	s1 =	rddreg [dreg:$0x1];
	p0 =	sne.s32 s2, $0x0  }
0x60: {  	s3 =	rddreg [dreg:$0x2];
	[bflag:$0x3] =	sbarrier.arrive $0xFFFF;
	s2 =	simm.s32 @!p0 $0x1C01  }
0x61: {  	[timem:s3], [sflag:s2] =	dma.local @!p0 [hbm:s0], s1  }
0x62: {  	s0 =	simm.s32 @!p0 $0x1  }
0x63: {  	_ =	swait.ge @!p0 [sflag:s0], s1  }
0x64: {  	s1 =	ssub.s32 @!p0 $0x0, s1;
	[sflag:s0] =	ssyncset.done @!p0 $0x0  }
0x65: {  	[sflag:s0] =	ssyncadd.s32 @!p0 s1  }
0x66: {  	[bflag:$0x3] =	sbarrier.arrive $0xFFFF  }
0x67: {  	_ =	shalt  }

</sc_bundles>
